<compile_context>
chip_gen: v7x
topology: tpu7x:2x2x1
jax: 0.10.2.dev20260603
libtpu: 0.0.44.dev20260713+nightly
codegen_flags: <defaults>
</compile_context>

<pallas_src>
import functools

import numpy as np
import jax
import jax.numpy as jnp
from jax import lax
from jax.experimental import pallas as pl
from jax.experimental.pallas import tpu as pltpu
from jax.experimental.pallas import tpu_sc as plsc

B, L, D = 1, 2048, 1024
H, KVH, HD = 16, 4, 64
E, K, F = 8, 2, 2048
EPS = 1e-05
G = H // KVH

BT = 256
NPAD = K * L + E * BT
NB = NPAD // BT

_P = np.zeros((HD, HD), np.float32)
for _i in range(HD // 2):
    _P[HD // 2 + _i, 2 * _i] = -1.0
    _P[_i, 2 * _i + 1] = 1.0
_BDQ = np.kron(np.eye(H, dtype=np.float32), _P)
_BDK = np.kron(np.eye(KVH, dtype=np.float32), _P)


def _rmsnorm(xb, w, b):
    rms = jax.lax.rsqrt(jnp.mean(xb * xb, axis=-1, keepdims=True) + EPS)
    return w * (xb * rms) + b


def _preattn_body(x_ref, ln1w_ref, ln1b_ref, wq_ref, bq_ref, wk_ref, bk_ref,
                  wv_ref, bv_ref, cos_ref, sin_ref,
                  bdq_ref, bdk_ref, q_ref, k_ref, v_ref):
    cb, sb = cos_ref[...], sin_ref[...]
    cq_ref = jnp.concatenate([cb] * H, axis=1)
    sq_ref = jnp.concatenate([sb] * H, axis=1)
    ck_ref = jnp.concatenate([cb] * KVH, axis=1)
    sk_ref = jnp.concatenate([sb] * KVH, axis=1)
    h = _rmsnorm(x_ref[...], ln1w_ref[...], ln1b_ref[...])
    dn = (((1,), (1,)), ((), ()))
    q = jax.lax.dot_general(h, wq_ref[...], dn,
                            preferred_element_type=jnp.float32) + bq_ref[...]
    k = jax.lax.dot_general(h, wk_ref[...], dn,
                            preferred_element_type=jnp.float32) + bk_ref[...]
    v = jax.lax.dot_general(h, wv_ref[...], dn,
                            preferred_element_type=jnp.float32) + bv_ref[...]
    dnn = (((1,), (0,)), ((), ()))
    qr = q * cq_ref[...] + jax.lax.dot_general(
        q, bdq_ref[...], dnn, preferred_element_type=jnp.float32) * sq_ref[...]
    kr = k * ck_ref[...] + jax.lax.dot_general(
        k, bdk_ref[...], dnn, preferred_element_type=jnp.float32) * sk_ref[...]
    q_ref[...] = qr
    k_ref[...] = kr
    v_ref[...] = v


def _attn_body(q_ref, k_ref, v_ref, o_ref, *, bq, lk, row0):
    i = pl.program_id(1)
    qp = q_ref[...]
    k = k_ref[0]
    v = v_ref[0]
    rows = jax.lax.broadcasted_iota(jnp.int32, (bq, lk), 0) + row0 + i * bq
    cols = jax.lax.broadcasted_iota(jnp.int32, (bq, lk), 1)
    msk = rows >= cols
    outs = []
    for h in range(2):
        q = qp[:, h * HD:(h + 1) * HD]
        s = jax.lax.dot_general(q, k, (((1,), (1,)), ((), ())),
                                preferred_element_type=jnp.float32) * (1.0 / 8.0)
        s = jnp.where(msk, s, jnp.float32(-1e30))
        m = jnp.max(s, axis=-1, keepdims=True)
        p = jnp.exp(s - m)
        l = jnp.sum(p, axis=-1, keepdims=True)
        outs.append(jax.lax.dot_general(p, v, (((1,), (0,)), ((), ())),
                                        preferred_element_type=jnp.float32) / l)
    o_ref[...] = jnp.concatenate(outs, axis=1)


def _postattn_body(o_ref, res_ref, wo_ref, bo_ref, ln2w_ref, ln2b_ref,
                   wg_ref, x2_ref, h2_ref, rl_ref, ti_ref, tw_ref):
    dn = (((1,), (1,)), ((), ()))
    x2 = jax.lax.dot_general(o_ref[...], wo_ref[...], dn,
                             preferred_element_type=jnp.float32) \
        + bo_ref[...] + res_ref[...]
    h2 = _rmsnorm(x2, ln2w_ref[...], ln2b_ref[...])
    rl = jax.lax.dot_general(h2, wg_ref[...], dn,
                             preferred_element_type=jnp.float32)
    bt = rl.shape[0]
    col = jax.lax.broadcasted_iota(jnp.int32, (bt, 128), 1)
    rlm = jnp.where(col < E, rl, jnp.float32(-1e30))
    m1 = jnp.max(rlm, axis=-1, keepdims=True)
    i1 = jnp.min(jnp.where(rlm == m1, col, 127), axis=-1, keepdims=True)
    rl2 = jnp.where(col == i1, jnp.float32(-1e30), rlm)
    m2 = jnp.max(rl2, axis=-1, keepdims=True)
    i2 = jnp.min(jnp.where(rl2 == m2, col, 127), axis=-1, keepdims=True)
    w1 = 1.0 / (1.0 + jnp.exp(m2 - m1))
    w2 = 1.0 - w1
    x2_ref[...] = x2
    h2_ref[...] = h2
    rl_ref[...] = rlm
    ti_ref[...] = jnp.where(col == 0, i1, jnp.where(col == 1, i2, 0))
    tw_ref[...] = jnp.where(col == 0, w1, jnp.where(col == 1, w2, 0.0))


_SC_NC, _SC_NS = 2, 16
_SC_NW = _SC_NC * _SC_NS
_GRPW = NPAD // _SC_NW
_GCH = 32
_GNCH = _GRPW // _GCH
assert _GRPW % _GCH == 0 and _GCH % 8 == 0


def _sc_gather_body(h2_hbm, st_hbm, xs_hbm, idx_v, b0, b1, b2, gsem, ssem,
                    *, rpw, nch):
    wid = lax.axis_index("s") * _SC_NC + lax.axis_index("c")
    base = wid * rpw
    pltpu.sync_copy(st_hbm.at[pl.ds(base, rpw)], idx_v)
    bufs = [b0, b1, b2]

    def gather(c, buf):
        return pltpu.async_copy(
            h2_hbm.at[idx_v.at[pl.ds(c * _GCH, _GCH)]], buf, gsem)

    def scatter(c, buf):
        return pltpu.async_copy(
            buf, xs_hbm.at[pl.ds(base + c * _GCH, _GCH)], ssem)

    gs, ss = {}, {}
    for c in range(min(3, nch)):
        gs[c] = gather(c, bufs[c])
    for c in range(nch):
        gs[c].wait()
        ss[c] = scatter(c, bufs[c % 3])
        if c + 3 < nch:
            ss[c].wait()
            gs[c + 3] = gather(c + 3, bufs[c % 3])
    for c in range(max(0, nch - 3), nch):
        ss[c].wait()


def _sc_gather(h2, st_part):
    npart = st_part.shape[0]
    rpw = npart // _SC_NW
    nch = rpw // _GCH
    assert rpw % _GCH == 0 and rpw % 8 == 0
    return pl.kernel(
        functools.partial(_sc_gather_body, rpw=rpw, nch=nch),
        out_type=jax.ShapeDtypeStruct((npart, D), jnp.float32),
        mesh=plsc.VectorSubcoreMesh(core_axis_name="c", subcore_axis_name="s",
                                    num_cores=_SC_NC, num_subcores=_SC_NS),
        scratch_types=[pltpu.VMEM((rpw,), jnp.int32),
                       pltpu.VMEM((_GCH, D), jnp.float32),
                       pltpu.VMEM((_GCH, D), jnp.float32),
                       pltpu.VMEM((_GCH, D), jnp.float32),
                       pltpu.SemaphoreType.DMA,
                       pltpu.SemaphoreType.DMA],
    )(h2, st_part)


def _moe_body(be_ref, xs_ref, w1_ref, w2_ref, w3_ref, ws_ref, eo_ref):
    b = pl.program_id(0)
    e = be_ref[b]

    @pl.when(e >= 0)
    def _():
        xb = xs_ref[...]
        dn = (((1,), (1,)), ((), ()))
        h1 = jax.lax.dot_general(xb, w1_ref[0], dn,
                                 preferred_element_type=jnp.float32)
        h3 = jax.lax.dot_general(xb, w3_ref[0], dn,
                                 preferred_element_type=jnp.float32)
        hh = h1 * jax.lax.logistic(h1) * h3
        eo = jax.lax.dot_general(hh, w2_ref[0], dn,
                                 preferred_element_type=jnp.float32)
        eo_ref[...] = eo * ws_ref[:, 0:1]


def _combine_body(p_ref, eo_ref, x2_ref, out_ref, *, btc):
    c = pl.program_id(0)

    def cp(r, acc):
        t = c * btc + r
        pa = p_ref[t]
        pb = p_ref[L + t]
        out_ref[r, :] = x2_ref[r, :] + eo_ref[pa, :] + eo_ref[pb, :]
        return acc
    jax.lax.fori_loop(0, btc, cp, 0, unroll=8)


def kernel(x, cos, sin, ln1_w, ln1_b, ln2_w, ln2_b, Wq, bq, Wk, bk, Wv, bv,
           Wo, bo, Wg, W1, W2, W3):
    xf = x.reshape(L, D)
    bdq = jnp.asarray(_BDQ)
    bdk = jnp.asarray(_BDK)

    bt = 256
    nblk = L // bt
    full = lambda shape: pl.BlockSpec(shape, lambda i: tuple(0 for _ in shape))
    row_blk = lambda w: pl.BlockSpec((bt, w), lambda i: (i, 0))
    q, k, v = pl.pallas_call(
        _preattn_body,
        grid=(nblk,),
        in_specs=[row_blk(D), full((1, D)), full((1, D)),
                  full((H * HD, D)), full((1, H * HD)),
                  full((KVH * HD, D)), full((1, KVH * HD)),
                  full((KVH * HD, D)), full((1, KVH * HD)),
                  row_blk(HD), row_blk(HD),
                  full((H * HD, H * HD)), full((KVH * HD, KVH * HD))],
        out_specs=[row_blk(H * HD), row_blk(KVH * HD), row_blk(KVH * HD)],
        out_shape=[jax.ShapeDtypeStruct((L, H * HD), jnp.float32),
                   jax.ShapeDtypeStruct((L, KVH * HD), jnp.float32),
                   jax.ShapeDtypeStruct((L, KVH * HD), jnp.float32)],
    )(xf, ln1_w[None], ln1_b[None], Wq, bq[None], Wk, bk[None], Wv, bv[None],
      cos, sin, bdq, bdk)

    k3 = k.reshape(L, KVH, HD).transpose(1, 0, 2)
    v3 = v.reshape(L, KVH, HD).transpose(1, 0, 2)

    bq_a = 256
    lh = L // 2
    npair = H // 2

    def attn_half(lk, row0, ioff):
        return pl.pallas_call(
            functools.partial(_attn_body, bq=bq_a, lk=lk, row0=row0),
            grid=(npair, lh // bq_a),
            in_specs=[pl.BlockSpec((bq_a, 2 * HD),
                                   lambda p, i: (i + ioff, p)),
                      pl.BlockSpec((1, lk, HD), lambda p, i: (p // 2, 0, 0)),
                      pl.BlockSpec((1, lk, HD), lambda p, i: (p // 2, 0, 0))],
            out_specs=pl.BlockSpec((bq_a, 2 * HD), lambda p, i: (i, p)),
            out_shape=jax.ShapeDtypeStruct((lh, H * HD), jnp.float32),
        )(q, k3, v3)

    oa = attn_half(lh, 0, 0)
    ob = attn_half(L, lh, lh // bq_a)
    o = jnp.concatenate([oa, ob], axis=0)

    wg_pad = jnp.zeros((128, D), jnp.float32).at[:E].set(Wg)
    x2, h2, rl, ti, tw = pl.pallas_call(
        _postattn_body,
        grid=(nblk,),
        in_specs=[row_blk(H * HD), row_blk(D), full((D, H * HD)),
                  full((1, D)), full((1, D)), full((1, D)), full((128, D))],
        out_specs=[row_blk(D), row_blk(D), row_blk(128), row_blk(128),
                   row_blk(128)],
        out_shape=[jax.ShapeDtypeStruct((L, D), jnp.float32),
                   jax.ShapeDtypeStruct((L, D), jnp.float32),
                   jax.ShapeDtypeStruct((L, 128), jnp.float32),
                   jax.ShapeDtypeStruct((L, 128), jnp.int32),
                   jax.ShapeDtypeStruct((L, 128), jnp.float32)],
    )(o, xf, Wo, bo[None], ln2_w[None], ln2_b[None], wg_pad)
    router_logits = rl[:, :E]

    e_flat = jnp.concatenate([ti[:, 0], ti[:, 1]])
    w_flat = jnp.concatenate([tw[:, 0], tw[:, 1]])
    order = jnp.argsort(e_flat, stable=True)
    inv = jnp.argsort(order).astype(jnp.int32)
    counts = jnp.sum(e_flat[:, None] == jnp.arange(E)[None, :], axis=0)
    padded = ((counts + BT - 1) // BT) * BT
    pad_start = jnp.concatenate([jnp.zeros((1,), jnp.int32),
                                 jnp.cumsum(padded).astype(jnp.int32)])
    start = jnp.concatenate([jnp.zeros((1,), jnp.int32),
                             jnp.cumsum(counts).astype(jnp.int32)])
    pos_flat = pad_start[e_flat] + inv - start[e_flat]
    ppos = jnp.arange(NPAD, dtype=jnp.int32)
    pe = jnp.sum((ppos[:, None] >= pad_start[None, 1:E]).astype(jnp.int32),
                 axis=1)
    pe = jnp.minimum(pe, E - 1)
    rankp = ppos - pad_start[pe]
    pvalid = rankp < counts[pe]
    j_p = jnp.clip(start[pe] + rankp, 0, K * L - 1)
    src_flat = order[j_p].astype(jnp.int32)
    src_token = jnp.where(pvalid, src_flat % L, 0)
    ws = jnp.where(pvalid, w_flat[src_flat], 0.0)
    ws8 = jnp.broadcast_to(ws[:, None], (NPAD, 8))
    total_pad = pad_start[E]
    bstart = jnp.arange(NB, dtype=jnp.int32) * BT
    be_raw = jnp.sum((bstart[:, None] >= pad_start[None, 1:E]).astype(
        jnp.int32), axis=1)
    block_expert = jnp.where(bstart < total_pad, be_raw, -1)

    xs = _sc_gather(h2, src_token)

    eo_buf = pl.pallas_call(
        _moe_body,
        grid_spec=pltpu.PrefetchScalarGridSpec(
            num_scalar_prefetch=1,
            grid=(NB,),
            in_specs=[
                pl.BlockSpec((BT, D), lambda b, be: (b, 0)),
                pl.BlockSpec((1, F, D),
                             lambda b, be: (jnp.maximum(be[b], 0), 0, 0)),
                pl.BlockSpec((1, D, F),
                             lambda b, be: (jnp.maximum(be[b], 0), 0, 0)),
                pl.BlockSpec((1, F, D),
                             lambda b, be: (jnp.maximum(be[b], 0), 0, 0)),
                pl.BlockSpec((BT, 8), lambda b, be: (b, 0)),
            ],
            out_specs=pl.BlockSpec((BT, D), lambda b, be: (b, 0)),
        ),
        out_shape=jax.ShapeDtypeStruct((NPAD, D), jnp.float32),
        compiler_params=pltpu.CompilerParams(
            vmem_limit_bytes=100 * 1024 * 1024),
    )(block_expert, xs, W1, W2, W3, ws8)

    btc = 256
    xout = pl.pallas_call(
        functools.partial(_combine_body, btc=btc),
        grid_spec=pltpu.PrefetchScalarGridSpec(
            num_scalar_prefetch=1,
            grid=(L // btc,),
            in_specs=[pl.BlockSpec((NPAD, D), lambda c, pf: (0, 0)),
                      pl.BlockSpec((btc, D), lambda c, pf: (c, 0))],
            out_specs=pl.BlockSpec((btc, D), lambda c, pf: (c, 0)),
        ),
        out_shape=jax.ShapeDtypeStruct((L, D), jnp.float32),
        compiler_params=pltpu.CompilerParams(
            vmem_limit_bytes=100 * 1024 * 1024),
    )(pos_flat, eo_buf, x2)

    return (xout.reshape(B, L, D), router_logits)

# --- scband reference (transcript-rebuilt; emitter-appended) ---
"""Pipeline reference for scband-phi-mo-edecoder-layer-89481348645455 (READ-ONLY COPY).

The authoritative reference and input builder live on the scoring server;
editing this copy changes nothing except your own understanding.
"""

import jax, jax.numpy as jnp
import numpy as np

B, L, D = 1, 2048, 1024
H, KVH, HD = 16, 4, 64
E, K, F = 8, 2, 2048
EPS = 1e-05


def setup_inputs(seed: int = 0) -> dict:
    key = jax.random.key(seed)
    ks = jax.random.split(key, 24)

    def w(k, shape, s=0.02):
        return jax.random.normal(k, shape, dtype=jnp.float32) * s

    inp = {}
    inp['x'] = jax.random.normal(ks[0], (B, L, D), dtype=jnp.float32)
    inp['cos'] = jax.random.uniform(ks[1], (L, HD), dtype=jnp.float32)
    inp['sin'] = jax.random.uniform(ks[2], (L, HD), dtype=jnp.float32)
    inp['ln1_w'] = jnp.ones((D,), jnp.float32)
    inp['ln1_b'] = jnp.zeros((D,), jnp.float32)
    inp['ln2_w'] = jnp.ones((D,), jnp.float32)
    inp['ln2_b'] = jnp.zeros((D,), jnp.float32)
    inp['Wq'] = w(ks[3], (H * HD, D))
    inp['bq'] = jnp.zeros((H * HD,), jnp.float32)
    inp['Wk'] = w(ks[4], (KVH * HD, D))
    inp['bk'] = jnp.zeros((KVH * HD,), jnp.float32)
    inp['Wv'] = w(ks[5], (KVH * HD, D))
    inp['bv'] = jnp.zeros((KVH * HD,), jnp.float32)
    inp['Wo'] = w(ks[6], (D, H * HD))
    inp['bo'] = jnp.zeros((D,), jnp.float32)
    inp['Wg'] = w(ks[7], (E, D))
    inp['W1'] = w(ks[8], (E, F, D))
    inp['W2'] = w(ks[9], (E, D, F))
    inp['W3'] = w(ks[10], (E, F, D))
    return inp


def rmsnorm(x, w, b):
    rms = jax.lax.rsqrt(jnp.mean(x * x, axis=-1, keepdims=True) + EPS)
    return w * (x * rms) + b


def apply_rope(x, cos, sin):
    d = x.shape[-1]
    xr = jnp.stack([-x[..., d // 2:], x[..., :d // 2]], axis=-1).reshape(x.shape)
    return x * cos + xr * sin


def reference(x, cos, sin, ln1_w, ln1_b, ln2_w, ln2_b, Wq, bq, Wk, bk, Wv, bv, Wo, bo, Wg, W1, W2, W3):
    res = x
    h = rmsnorm(x, ln1_w, ln1_b)
    q = (h @ Wq.T + bq).reshape(B, L, H, HD).transpose(0, 2, 1, 3)
    k = (h @ Wk.T + bk).reshape(B, L, KVH, HD).transpose(0, 2, 1, 3)
    v = (h @ Wv.T + bv).reshape(B, L, KVH, HD).transpose(0, 2, 1, 3)
    q = apply_rope(q, cos, sin)
    k = apply_rope(k, cos, sin)
    g = H // KVH
    k = jnp.repeat(k, g, axis=1)
    v = jnp.repeat(v, g, axis=1)
    scores = jnp.einsum('bhld,bhmd->bhlm', q, k) / jnp.sqrt(jnp.float32(HD))
    mask = jnp.tril(jnp.ones((L, L), bool))
    scores = jnp.where(mask, scores, jnp.float32(-1e30))
    attn = jax.nn.softmax(scores, axis=-1)
    o = jnp.einsum('bhlm,bhmd->bhld', attn, v)
    o = o.transpose(0, 2, 1, 3).reshape(B, L, H * HD)
    o = o @ Wo.T + bo
    x = res + o
    res = x
    h = rmsnorm(x, ln2_w, ln2_b)
    xf = h.reshape(-1, D)
    router_logits = xf @ Wg.T
    tw, ti = jax.lax.top_k(router_logits, K)
    tw = jax.nn.softmax(tw, axis=-1)
    comb = jnp.zeros((B * L, E), jnp.float32).at[jnp.arange(B * L)[:, None], ti].add(tw)
    h1 = jnp.einsum('td,efd->tef', xf, W1)
    h3 = jnp.einsum('td,efd->tef', xf, W3)
    hh = jax.nn.silu(h1) * h3
    eo = jnp.einsum('tef,edf->ted', hh, W2)
    moe = jnp.einsum('ted,te->td', eo, comb).reshape(B, L, D)
    x = res + moe
    return (x, router_logits)

if __name__ == "__main__":
    import jax
    _d = setup_inputs()
    print(jax.jit(kernel)(*tuple(_d.values())))

</pallas_src>

<mosaic_0001>
#map = affine_map<(d0, d1) -> (0, 0)>
#map1 = affine_map<(d0, d1) -> (0)>
module attributes {stable_mosaic.version = 14 : i64} {
  func.func @_sc_gather_body(%arg0: i32, %arg1: i32, %arg2: memref<2048x1024xf32, #tpu.memory_space<hbm>>, %arg3: memref<6144xi32, #tpu.memory_space<hbm>>, %arg4: memref<6144x1024xf32, #tpu.memory_space<hbm>>, %arg5: memref<192xi32, #tpu.memory_space<vmem>>, %arg6: memref<32x1024xf32, #tpu.memory_space<vmem>>, %arg7: memref<32x1024xf32, #tpu.memory_space<vmem>>, %arg8: memref<32x1024xf32, #tpu.memory_space<vmem>>, %arg9: memref<!tpu.dma_semaphore, #tpu.memory_space<semaphore_mem>>, %arg10: memref<!tpu.dma_semaphore, #tpu.memory_space<semaphore_mem>>) attributes {dimension_semantics = [#tpu.dimension_semantics<core_parallel>, #tpu.dimension_semantics<subcore_parallel>], iteration_bounds = array<i64: 2, 16>, scalar_prefetch = 0 : i64, scratch_operands = 6 : i64, tpu.core_type = #tpu.core_type<sc_vector_subcore>, window_params = [{transform_indices = #map}, {transform_indices = #map1}, {transform_indices = #map}]} {
    %mul3A = arith.constant 2 : i32
    %mul3A_0 = arith.muli %arg1, %mul3A : i32
    %add3A = arith.addi %mul3A_0, %arg0 : i32
    %mul3A_1 = arith.constant 192 : i32
    %mul3A_2 = arith.muli %add3A, %mul3A_1 : i32
    "tpu.region"() ({
      %run_scoped3A = tpu.sem_alloc : memref<!tpu.dma_semaphore, #tpu.memory_space<semaphore_mem>>
      %dma_start3A_121 = tpu.memref_slice %arg3[%mul3A_2] : memref<6144xi32, #tpu.memory_space<hbm>> -> memref<192xi32, #tpu.memory_space<hbm>>
      %dma_start3A_122 = tpu.memref_slice %arg3[%mul3A_2] : memref<6144xi32, #tpu.memory_space<hbm>> -> memref<192xi32, #tpu.memory_space<hbm>>
      tpu.enqueue_dma source(%dma_start3A_122 : memref<192xi32, #tpu.memory_space<hbm>>) target(%arg5 : memref<192xi32, #tpu.memory_space<vmem>>) target_semaphore(%run_scoped3A : memref<!tpu.dma_semaphore, #tpu.memory_space<semaphore_mem>>)
      %dma_wait3A_123 = tpu.memref_slice %arg3[%mul3A_2] : memref<6144xi32, #tpu.memory_space<hbm>> -> memref<192xi32, #tpu.memory_space<hbm>>
      %dma_wait3A_124 = tpu.memref_slice %arg3[%mul3A_2] : memref<6144xi32, #tpu.memory_space<hbm>> -> memref<192xi32, #tpu.memory_space<hbm>>
      tpu.wait_dma2 semaphore(%run_scoped3A : memref<!tpu.dma_semaphore, #tpu.memory_space<semaphore_mem>>) src(%dma_wait3A_124 : memref<192xi32, #tpu.memory_space<hbm>>) dst(%arg5 : memref<192xi32, #tpu.memory_space<vmem>>)
      tpu.yield
    }) : () -> ()
    %dma_start3A = arith.constant 0 : i32
    %dma_start3A_3 = tpu.memref_slice %arg5[%dma_start3A] : memref<192xi32, #tpu.memory_space<vmem>> -> memref<32xi32, #tpu.memory_space<vmem>>
    %dma_start3A_4 = arith.constant 0 : i32
    %dma_start3A_5 = arith.constant 0 : i32
    %dma_start3A_6 = tpu.memref_slice %arg2[%dma_start3A_4, %dma_start3A_5] : memref<2048x1024xf32, #tpu.memory_space<hbm>> -> memref<2048x1024xf32, #tpu.memory_space<hbm>>
    tpu.enqueue_indirect_dma source(%dma_start3A_6 : memref<2048x1024xf32, #tpu.memory_space<hbm>>) target(%arg6 : memref<32x1024xf32, #tpu.memory_space<vmem>>) offsets(%dma_start3A_3 : memref<32xi32, #tpu.memory_space<vmem>>) semaphore(%arg9 : memref<!tpu.dma_semaphore, #tpu.memory_space<semaphore_mem>>)
    %dma_start3A_7 = arith.constant 32 : i32
    %dma_start3A_8 = tpu.memref_slice %arg5[%dma_start3A_7] : memref<192xi32, #tpu.memory_space<vmem>> -> memref<32xi32, #tpu.memory_space<vmem>>
    %dma_start3A_9 = arith.constant 0 : i32
    %dma_start3A_10 = arith.constant 0 : i32
    %dma_start3A_11 = tpu.memref_slice %arg2[%dma_start3A_9, %dma_start3A_10] : memref<2048x1024xf32, #tpu.memory_space<hbm>> -> memref<2048x1024xf32, #tpu.memory_space<hbm>>
    tpu.enqueue_indirect_dma source(%dma_start3A_11 : memref<2048x1024xf32, #tpu.memory_space<hbm>>) target(%arg7 : memref<32x1024xf32, #tpu.memory_space<vmem>>) offsets(%dma_start3A_8 : memref<32xi32, #tpu.memory_space<vmem>>) semaphore(%arg9 : memref<!tpu.dma_semaphore, #tpu.memory_space<semaphore_mem>>)
    %dma_start3A_12 = arith.constant 64 : i32
    %dma_start3A_13 = tpu.memref_slice %arg5[%dma_start3A_12] : memref<192xi32, #tpu.memory_space<vmem>> -> memref<32xi32, #tpu.memory_space<vmem>>
    %dma_start3A_14 = arith.constant 0 : i32
    %dma_start3A_15 = arith.constant 0 : i32
    %dma_start3A_16 = tpu.memref_slice %arg2[%dma_start3A_14, %dma_start3A_15] : memref<2048x1024xf32, #tpu.memory_space<hbm>> -> memref<2048x1024xf32, #tpu.memory_space<hbm>>
    tpu.enqueue_indirect_dma source(%dma_start3A_16 : memref<2048x1024xf32, #tpu.memory_space<hbm>>) target(%arg8 : memref<32x1024xf32, #tpu.memory_space<vmem>>) offsets(%dma_start3A_13 : memref<32xi32, #tpu.memory_space<vmem>>) semaphore(%arg9 : memref<!tpu.dma_semaphore, #tpu.memory_space<semaphore_mem>>)
    %dma_wait3A = arith.constant 0 : i32
    %dma_wait3A_17 = tpu.memref_slice %arg5[%dma_wait3A] : memref<192xi32, #tpu.memory_space<vmem>> -> memref<32xi32, #tpu.memory_space<vmem>>
    %dma_wait3A_18 = arith.constant 0 : i32
    %dma_wait3A_19 = arith.constant 0 : i32
    %dma_wait3A_20 = tpu.memref_slice %arg2[%dma_wait3A_18, %dma_wait3A_19] : memref<2048x1024xf32, #tpu.memory_space<hbm>> -> memref<2048x1024xf32, #tpu.memory_space<hbm>>
    tpu.wait_indirect_dma semaphore(%arg9 : memref<!tpu.dma_semaphore, #tpu.memory_space<semaphore_mem>>) src(%dma_wait3A_20 : memref<2048x1024xf32, #tpu.memory_space<hbm>>) dst(%arg6 : memref<32x1024xf32, #tpu.memory_space<vmem>>)
    %add3A_21 = arith.constant 0 : i32
    %add3A_22 = arith.addi %mul3A_2, %add3A_21 : i32
    %dma_start3A_23 = arith.constant 0 : i32
    %dma_start3A_24 = tpu.memref_slice %arg4[%add3A_22, %dma_start3A_23] : memref<6144x1024xf32, #tpu.memory_space<hbm>> -> memref<32x1024xf32, #tpu.memory_space<hbm>>
    %dma_start3A_25 = arith.constant 0 : i32
    %dma_start3A_26 = tpu.memref_slice %arg4[%add3A_22, %dma_start3A_25] : memref<6144x1024xf32, #tpu.memory_space<hbm>> -> memref<32x1024xf32, #tpu.memory_space<hbm>>
    tpu.enqueue_dma source(%arg6 : memref<32x1024xf32, #tpu.memory_space<vmem>>) target(%dma_start3A_26 : memref<32x1024xf32, #tpu.memory_space<hbm>>) target_semaphore(%arg10 : memref<!tpu.dma_semaphore, #tpu.memory_space<semaphore_mem>>)
    %dma_wait3A_27 = arith.constant 0 : i32
    %dma_wait3A_28 = tpu.memref_slice %arg4[%add3A_22, %dma_wait3A_27] : memref<6144x1024xf32, #tpu.memory_space<hbm>> -> memref<32x1024xf32, #tpu.memory_space<hbm>>
    %dma_wait3A_29 = arith.constant 0 : i32
    %dma_wait3A_30 = tpu.memref_slice %arg4[%add3A_22, %dma_wait3A_29] : memref<6144x1024xf32, #tpu.memory_space<hbm>> -> memref<32x1024xf32, #tpu.memory_space<hbm>>
    tpu.wait_dma2 semaphore(%arg10 : memref<!tpu.dma_semaphore, #tpu.memory_space<semaphore_mem>>) src(%arg6 : memref<32x1024xf32, #tpu.memory_space<vmem>>) dst(%dma_wait3A_30 : memref<32x1024xf32, #tpu.memory_space<hbm>>)
    %dma_start3A_31 = arith.constant 96 : i32
    %dma_start3A_32 = tpu.memref_slice %arg5[%dma_start3A_31] : memref<192xi32, #tpu.memory_space<vmem>> -> memref<32xi32, #tpu.memory_space<vmem>>
    %dma_start3A_33 = arith.constant 0 : i32
    %dma_start3A_34 = arith.constant 0 : i32
    %dma_start3A_35 = tpu.memref_slice %arg2[%dma_start3A_33, %dma_start3A_34] : memref<2048x1024xf32, #tpu.memory_space<hbm>> -> memref<2048x1024xf32, #tpu.memory_space<hbm>>
    tpu.enqueue_indirect_dma source(%dma_start3A_35 : memref<2048x1024xf32, #tpu.memory_space<hbm>>) target(%arg6 : memref<32x1024xf32, #tpu.memory_space<vmem>>) offsets(%dma_start3A_32 : memref<32xi32, #tpu.memory_space<vmem>>) semaphore(%arg9 : memref<!tpu.dma_semaphore, #tpu.memory_space<semaphore_mem>>)
    %dma_wait3A_36 = arith.constant 32 : i32
    %dma_wait3A_37 = tpu.memref_slice %arg5[%dma_wait3A_36] : memref<192xi32, #tpu.memory_space<vmem>> -> memref<32xi32, #tpu.memory_space<vmem>>
    %dma_wait3A_38 = arith.constant 0 : i32
    %dma_wait3A_39 = arith.constant 0 : i32
    %dma_wait3A_40 = tpu.memref_slice %arg2[%dma_wait3A_38, %dma_wait3A_39] : memref<2048x1024xf32, #tpu.memory_space<hbm>> -> memref<2048x1024xf32, #tpu.memory_space<hbm>>
    tpu.wait_indirect_dma semaphore(%arg9 : memref<!tpu.dma_semaphore, #tpu.memory_space<semaphore_mem>>) src(%dma_wait3A_40 : memref<2048x1024xf32, #tpu.memory_space<hbm>>) dst(%arg7 : memref<32x1024xf32, #tpu.memory_space<vmem>>)
    %add3A_41 = arith.constant 32 : i32
    %add3A_42 = arith.addi %mul3A_2, %add3A_41 : i32
    %dma_start3A_43 = arith.constant 0 : i32
    %dma_start3A_44 = tpu.memref_slice %arg4[%add3A_42, %dma_start3A_43] : memref<6144x1024xf32, #tpu.memory_space<hbm>> -> memref<32x1024xf32, #tpu.memory_space<hbm>>
    %dma_start3A_45 = arith.constant 0 : i32
    %dma_start3A_46 = tpu.memref_slice %arg4[%add3A_42, %dma_start3A_45] : memref<6144x1024xf32, #tpu.memory_space<hbm>> -> memref<32x1024xf32, #tpu.memory_space<hbm>>
    tpu.enqueue_dma source(%arg7 : memref<32x1024xf32, #tpu.memory_space<vmem>>) target(%dma_start3A_46 : memref<32x1024xf32, #tpu.memory_space<hbm>>) target_semaphore(%arg10 : memref<!tpu.dma_semaphore, #tpu.memory_space<semaphore_mem>>)
    %dma_wait3A_47 = arith.constant 0 : i32
    %dma_wait3A_48 = tpu.memref_slice %arg4[%add3A_42, %dma_wait3A_47] : memref<6144x1024xf32, #tpu.memory_space<hbm>> -> memref<32x1024xf32, #tpu.memory_space<hbm>>
    %dma_wait3A_49 = arith.constant 0 : i32
    %dma_wait3A_50 = tpu.memref_slice %arg4[%add3A_42, %dma_wait3A_49] : memref<6144x1024xf32, #tpu.memory_space<hbm>> -> memref<32x1024xf32, #tpu.memory_space<hbm>>
    tpu.wait_dma2 semaphore(%arg10 : memref<!tpu.dma_semaphore, #tpu.memory_space<semaphore_mem>>) src(%arg7 : memref<32x1024xf32, #tpu.memory_space<vmem>>) dst(%dma_wait3A_50 : memref<32x1024xf32, #tpu.memory_space<hbm>>)
    %dma_start3A_51 = arith.constant 128 : i32
    %dma_start3A_52 = tpu.memref_slice %arg5[%dma_start3A_51] : memref<192xi32, #tpu.memory_space<vmem>> -> memref<32xi32, #tpu.memory_space<vmem>>
    %dma_start3A_53 = arith.constant 0 : i32
    %dma_start3A_54 = arith.constant 0 : i32
    %dma_start3A_55 = tpu.memref_slice %arg2[%dma_start3A_53, %dma_start3A_54] : memref<2048x1024xf32, #tpu.memory_space<hbm>> -> memref<2048x1024xf32, #tpu.memory_space<hbm>>
    tpu.enqueue_indirect_dma source(%dma_start3A_55 : memref<2048x1024xf32, #tpu.memory_space<hbm>>) target(%arg7 : memref<32x1024xf32, #tpu.memory_space<vmem>>) offsets(%dma_start3A_52 : memref<32xi32, #tpu.memory_space<vmem>>) semaphore(%arg9 : memref<!tpu.dma_semaphore, #tpu.memory_space<semaphore_mem>>)
    %dma_wait3A_56 = arith.constant 64 : i32
    %dma_wait3A_57 = tpu.memref_slice %arg5[%dma_wait3A_56] : memref<192xi32, #tpu.memory_space<vmem>> -> memref<32xi32, #tpu.memory_space<vmem>>
    %dma_wait3A_58 = arith.constant 0 : i32
    %dma_wait3A_59 = arith.constant 0 : i32
    %dma_wait3A_60 = tpu.memref_slice %arg2[%dma_wait3A_58, %dma_wait3A_59] : memref<2048x1024xf32, #tpu.memory_space<hbm>> -> memref<2048x1024xf32, #tpu.memory_space<hbm>>
    tpu.wait_indirect_dma semaphore(%arg9 : memref<!tpu.dma_semaphore, #tpu.memory_space<semaphore_mem>>) src(%dma_wait3A_60 : memref<2048x1024xf32, #tpu.memory_space<hbm>>) dst(%arg8 : memref<32x1024xf32, #tpu.memory_space<vmem>>)
    %add3A_61 = arith.constant 64 : i32
    %add3A_62 = arith.addi %mul3A_2, %add3A_61 : i32
    %dma_start3A_63 = arith.constant 0 : i32
    %dma_start3A_64 = tpu.memref_slice %arg4[%add3A_62, %dma_start3A_63] : memref<6144x1024xf32, #tpu.memory_space<hbm>> -> memref<32x1024xf32, #tpu.memory_space<hbm>>
    %dma_start3A_65 = arith.constant 0 : i32
    %dma_start3A_66 = tpu.memref_slice %arg4[%add3A_62, %dma_start3A_65] : memref<6144x1024xf32, #tpu.memory_space<hbm>> -> memref<32x1024xf32, #tpu.memory_space<hbm>>
    tpu.enqueue_dma source(%arg8 : memref<32x1024xf32, #tpu.memory_space<vmem>>) target(%dma_start3A_66 : memref<32x1024xf32, #tpu.memory_space<hbm>>) target_semaphore(%arg10 : memref<!tpu.dma_semaphore, #tpu.memory_space<semaphore_mem>>)
    %dma_wait3A_67 = arith.constant 0 : i32
    %dma_wait3A_68 = tpu.memref_slice %arg4[%add3A_62, %dma_wait3A_67] : memref<6144x1024xf32, #tpu.memory_space<hbm>> -> memref<32x1024xf32, #tpu.memory_space<hbm>>
    %dma_wait3A_69 = arith.constant 0 : i32
    %dma_wait3A_70 = tpu.memref_slice %arg4[%add3A_62, %dma_wait3A_69] : memref<6144x1024xf32, #tpu.memory_space<hbm>> -> memref<32x1024xf32, #tpu.memory_space<hbm>>
    tpu.wait_dma2 semaphore(%arg10 : memref<!tpu.dma_semaphore, #tpu.memory_space<semaphore_mem>>) src(%arg8 : memref<32x1024xf32, #tpu.memory_space<vmem>>) dst(%dma_wait3A_70 : memref<32x1024xf32, #tpu.memory_space<hbm>>)
    %dma_start3A_71 = arith.constant 160 : i32
    %dma_start3A_72 = tpu.memref_slice %arg5[%dma_start3A_71] : memref<192xi32, #tpu.memory_space<vmem>> -> memref<32xi32, #tpu.memory_space<vmem>>
    %dma_start3A_73 = arith.constant 0 : i32
    %dma_start3A_74 = arith.constant 0 : i32
    %dma_start3A_75 = tpu.memref_slice %arg2[%dma_start3A_73, %dma_start3A_74] : memref<2048x1024xf32, #tpu.memory_space<hbm>> -> memref<2048x1024xf32, #tpu.memory_space<hbm>>
    tpu.enqueue_indirect_dma source(%dma_start3A_75 : memref<2048x1024xf32, #tpu.memory_space<hbm>>) target(%arg8 : memref<32x1024xf32, #tpu.memory_space<vmem>>) offsets(%dma_start3A_72 : memref<32xi32, #tpu.memory_space<vmem>>) semaphore(%arg9 : memref<!tpu.dma_semaphore, #tpu.memory_space<semaphore_mem>>)
    %dma_wait3A_76 = arith.constant 96 : i32
    %dma_wait3A_77 = tpu.memref_slice %arg5[%dma_wait3A_76] : memref<192xi32, #tpu.memory_space<vmem>> -> memref<32xi32, #tpu.memory_space<vmem>>
    %dma_wait3A_78 = arith.constant 0 : i32
    %dma_wait3A_79 = arith.constant 0 : i32
    %dma_wait3A_80 = tpu.memref_slice %arg2[%dma_wait3A_78, %dma_wait3A_79] : memref<2048x1024xf32, #tpu.memory_space<hbm>> -> memref<2048x1024xf32, #tpu.memory_space<hbm>>
    tpu.wait_indirect_dma semaphore(%arg9 : memref<!tpu.dma_semaphore, #tpu.memory_space<semaphore_mem>>) src(%dma_wait3A_80 : memref<2048x1024xf32, #tpu.memory_space<hbm>>) dst(%arg6 : memref<32x1024xf32, #tpu.memory_space<vmem>>)
    %add3A_81 = arith.constant 96 : i32
    %add3A_82 = arith.addi %mul3A_2, %add3A_81 : i32
    %dma_start3A_83 = arith.constant 0 : i32
    %dma_start3A_84 = tpu.memref_slice %arg4[%add3A_82, %dma_start3A_83] : memref<6144x1024xf32, #tpu.memory_space<hbm>> -> memref<32x1024xf32, #tpu.memory_space<hbm>>
    %dma_start3A_85 = arith.constant 0 : i32
    %dma_start3A_86 = tpu.memref_slice %arg4[%add3A_82, %dma_start3A_85] : memref<6144x1024xf32, #tpu.memory_space<hbm>> -> memref<32x1024xf32, #tpu.memory_space<hbm>>
    tpu.enqueue_dma source(%arg6 : memref<32x1024xf32, #tpu.memory_space<vmem>>) target(%dma_start3A_86 : memref<32x1024xf32, #tpu.memory_space<hbm>>) target_semaphore(%arg10 : memref<!tpu.dma_semaphore, #tpu.memory_space<semaphore_mem>>)
    %dma_wait3A_87 = arith.constant 128 : i32
    %dma_wait3A_88 = tpu.memref_slice %arg5[%dma_wait3A_87] : memref<192xi32, #tpu.memory_space<vmem>> -> memref<32xi32, #tpu.memory_space<vmem>>
    %dma_wait3A_89 = arith.constant 0 : i32
    %dma_wait3A_90 = arith.constant 0 : i32
    %dma_wait3A_91 = tpu.memref_slice %arg2[%dma_wait3A_89, %dma_wait3A_90] : memref<2048x1024xf32, #tpu.memory_space<hbm>> -> memref<2048x1024xf32, #tpu.memory_space<hbm>>
    tpu.wait_indirect_dma semaphore(%arg9 : memref<!tpu.dma_semaphore, #tpu.memory_space<semaphore_mem>>) src(%dma_wait3A_91 : memref<2048x1024xf32, #tpu.memory_space<hbm>>) dst(%arg7 : memref<32x1024xf32, #tpu.memory_space<vmem>>)
    %add3A_92 = arith.constant 128 : i32
    %add3A_93 = arith.addi %mul3A_2, %add3A_92 : i32
    %dma_start3A_94 = arith.constant 0 : i32
    %dma_start3A_95 = tpu.memref_slice %arg4[%add3A_93, %dma_start3A_94] : memref<6144x1024xf32, #tpu.memory_space<hbm>> -> memref<32x1024xf32, #tpu.memory_space<hbm>>
    %dma_start3A_96 = arith.constant 0 : i32
    %dma_start3A_97 = tpu.memref_slice %arg4[%add3A_93, %dma_start3A_96] : memref<6144x1024xf32, #tpu.memory_space<hbm>> -> memref<32x1024xf32, #tpu.memory_space<hbm>>
    tpu.enqueue_dma source(%arg7 : memref<32x1024xf32, #tpu.memory_space<vmem>>) target(%dma_start3A_97 : memref<32x1024xf32, #tpu.memory_space<hbm>>) target_semaphore(%arg10 : memref<!tpu.dma_semaphore, #tpu.memory_space<semaphore_mem>>)
    %dma_wait3A_98 = arith.constant 160 : i32
    %dma_wait3A_99 = tpu.memref_slice %arg5[%dma_wait3A_98] : memref<192xi32, #tpu.memory_space<vmem>> -> memref<32xi32, #tpu.memory_space<vmem>>
    %dma_wait3A_100 = arith.constant 0 : i32
    %dma_wait3A_101 = arith.constant 0 : i32
    %dma_wait3A_102 = tpu.memref_slice %arg2[%dma_wait3A_100, %dma_wait3A_101] : memref<2048x1024xf32, #tpu.memory_space<hbm>> -> memref<2048x1024xf32, #tpu.memory_space<hbm>>
    tpu.wait_indirect_dma semaphore(%arg9 : memref<!tpu.dma_semaphore, #tpu.memory_space<semaphore_mem>>) src(%dma_wait3A_102 : memref<2048x1024xf32, #tpu.memory_space<hbm>>) dst(%arg8 : memref<32x1024xf32, #tpu.memory_space<vmem>>)
    %add3A_103 = arith.constant 160 : i32
    %add3A_104 = arith.addi %mul3A_2, %add3A_103 : i32
    %dma_start3A_105 = arith.constant 0 : i32
    %dma_start3A_106 = tpu.memref_slice %arg4[%add3A_104, %dma_start3A_105] : memref<6144x1024xf32, #tpu.memory_space<hbm>> -> memref<32x1024xf32, #tpu.memory_space<hbm>>
    %dma_start3A_107 = arith.constant 0 : i32
    %dma_start3A_108 = tpu.memref_slice %arg4[%add3A_104, %dma_start3A_107] : memref<6144x1024xf32, #tpu.memory_space<hbm>> -> memref<32x1024xf32, #tpu.memory_space<hbm>>
    tpu.enqueue_dma source(%arg8 : memref<32x1024xf32, #tpu.memory_space<vmem>>) target(%dma_start3A_108 : memref<32x1024xf32, #tpu.memory_space<hbm>>) target_semaphore(%arg10 : memref<!tpu.dma_semaphore, #tpu.memory_space<semaphore_mem>>)
    %dma_wait3A_109 = arith.constant 0 : i32
    %dma_wait3A_110 = tpu.memref_slice %arg4[%add3A_82, %dma_wait3A_109] : memref<6144x1024xf32, #tpu.memory_space<hbm>> -> memref<32x1024xf32, #tpu.memory_space<hbm>>
    %dma_wait3A_111 = arith.constant 0 : i32
    %dma_wait3A_112 = tpu.memref_slice %arg4[%add3A_82, %dma_wait3A_111] : memref<6144x1024xf32, #tpu.memory_space<hbm>> -> memref<32x1024xf32, #tpu.memory_space<hbm>>
    tpu.wait_dma2 semaphore(%arg10 : memref<!tpu.dma_semaphore, #tpu.memory_space<semaphore_mem>>) src(%arg6 : memref<32x1024xf32, #tpu.memory_space<vmem>>) dst(%dma_wait3A_112 : memref<32x1024xf32, #tpu.memory_space<hbm>>)
    %dma_wait3A_113 = arith.constant 0 : i32
    %dma_wait3A_114 = tpu.memref_slice %arg4[%add3A_93, %dma_wait3A_113] : memref<6144x1024xf32, #tpu.memory_space<hbm>> -> memref<32x1024xf32, #tpu.memory_space<hbm>>
    %dma_wait3A_115 = arith.constant 0 : i32
    %dma_wait3A_116 = tpu.memref_slice %arg4[%add3A_93, %dma_wait3A_115] : memref<6144x1024xf32, #tpu.memory_space<hbm>> -> memref<32x1024xf32, #tpu.memory_space<hbm>>
    tpu.wait_dma2 semaphore(%arg10 : memref<!tpu.dma_semaphore, #tpu.memory_space<semaphore_mem>>) src(%arg7 : memref<32x1024xf32, #tpu.memory_space<vmem>>) dst(%dma_wait3A_116 : memref<32x1024xf32, #tpu.memory_space<hbm>>)
    %dma_wait3A_117 = arith.constant 0 : i32
    %dma_wait3A_118 = tpu.memref_slice %arg4[%add3A_104, %dma_wait3A_117] : memref<6144x1024xf32, #tpu.memory_space<hbm>> -> memref<32x1024xf32, #tpu.memory_space<hbm>>
    %dma_wait3A_119 = arith.constant 0 : i32
    %dma_wait3A_120 = tpu.memref_slice %arg4[%add3A_104, %dma_wait3A_119] : memref<6144x1024xf32, #tpu.memory_space<hbm>> -> memref<32x1024xf32, #tpu.memory_space<hbm>>
    tpu.wait_dma2 semaphore(%arg10 : memref<!tpu.dma_semaphore, #tpu.memory_space<semaphore_mem>>) src(%arg8 : memref<32x1024xf32, #tpu.memory_space<vmem>>) dst(%dma_wait3A_120 : memref<32x1024xf32, #tpu.memory_space<hbm>>)
    return
  }
}

module attributes {stable_mosaic.version = 14 : i64} {
  func.func @_preattn_body(%arg0: i32, %arg1: memref<256x1024xf32, #tpu.memory_space<vmem>>, %arg2: memref<1x1024xf32, #tpu.memory_space<vmem>>, %arg3: memref<1x1024xf32, #tpu.memory_space<vmem>>, %arg4: memref<1024x1024xf32, #tpu.memory_space<vmem>>, %arg5: memref<1x1024xf32, #tpu.memory_space<vmem>>, %arg6: memref<256x1024xf32, #tpu.memory_space<vmem>>, %arg7: memref<1x256xf32, #tpu.memory_space<vmem>>, %arg8: memref<256x1024xf32, #tpu.memory_space<vmem>>, %arg9: memref<1x256xf32, #tpu.memory_space<vmem>>, %arg10: memref<256x64xf32, #tpu.memory_space<vmem>>, %arg11: memref<256x64xf32, #tpu.memory_space<vmem>>, %arg12: memref<1024x1024xf32, #tpu.memory_space<vmem>>, %arg13: memref<256x256xf32, #tpu.memory_space<vmem>>, %arg14: memref<256x1024xf32, #tpu.memory_space<vmem>>, %arg15: memref<256x256xf32, #tpu.memory_space<vmem>>, %arg16: memref<256x256xf32, #tpu.memory_space<vmem>>) attributes {dimension_semantics = [#tpu.dimension_semantics<arbitrary>], iteration_bounds = array<i64: 8>, scalar_prefetch = 0 : i64, scratch_operands = 0 : i64, tpu.core_type = #tpu.core_type<tc>, window_params = [{transform_indices = @transform_0, window_bounds = array<i64: 256, 1024>}, {pipeline_mode = #tpu.pipeline_mode<synchronous>, transform_indices = @transform_1, window_bounds = array<i64: 1, 1024>}, {pipeline_mode = #tpu.pipeline_mode<synchronous>, transform_indices = @transform_2, window_bounds = array<i64: 1, 1024>}, {pipeline_mode = #tpu.pipeline_mode<synchronous>, transform_indices = @transform_3, window_bounds = array<i64: 1024, 1024>}, {pipeline_mode = #tpu.pipeline_mode<synchronous>, transform_indices = @transform_4, window_bounds = array<i64: 1, 1024>}, {pipeline_mode = #tpu.pipeline_mode<synchronous>, transform_indices = @transform_5, window_bounds = array<i64: 256, 1024>}, {pipeline_mode = #tpu.pipeline_mode<synchronous>, transform_indices = @transform_6, window_bounds = array<i64: 1, 256>}, {pipeline_mode = #tpu.pipeline_mode<synchronous>, transform_indices = @transform_7, window_bounds = array<i64: 256, 1024>}, {pipeline_mode = #tpu.pipeline_mode<synchronous>, transform_indices = @transform_8, window_bounds = array<i64: 1, 256>}, {transform_indices = @transform_9, window_bounds = array<i64: 256, 64>}, {transform_indices = @transform_10, window_bounds = array<i64: 256, 64>}, {pipeline_mode = #tpu.pipeline_mode<synchronous>, transform_indices = @transform_11, window_bounds = array<i64: 1024, 1024>}, {pipeline_mode = #tpu.pipeline_mode<synchronous>, transform_indices = @transform_12, window_bounds = array<i64: 256, 256>}, {transform_indices = @transform_13, window_bounds = array<i64: 256, 1024>}, {transform_indices = @transform_14, window_bounds = array<i64: 256, 256>}, {transform_indices = @transform_15, window_bounds = array<i64: 256, 256>}]} {
    %get3A = arith.constant 0 : index
    %get3A_0 = arith.constant 0 : index
    %get3A_1 = vector.load %arg10[%get3A, %get3A_0] : memref<256x64xf32, #tpu.memory_space<vmem>>, vector<256x64xf32>
    %get3A_2 = arith.constant 0 : index
    %get3A_3 = arith.constant 0 : index
    %get3A_4 = vector.load %arg11[%get3A_2, %get3A_3] : memref<256x64xf32, #tpu.memory_space<vmem>>, vector<256x64xf32>
    %concatenate3A = tpu.concatenate %get3A_1, %get3A_1, %get3A_1, %get3A_1, %get3A_1, %get3A_1, %get3A_1, %get3A_1, %get3A_1, %get3A_1, %get3A_1, %get3A_1, %get3A_1, %get3A_1, %get3A_1, %get3A_1 in 1 : vector<256x64xf32>, vector<256x64xf32>, vector<256x64xf32>, vector<256x64xf32>, vector<256x64xf32>, vector<256x64xf32>, vector<256x64xf32>, vector<256x64xf32>, vector<256x64xf32>, vector<256x64xf32>, vector<256x64xf32>, vector<256x64xf32>, vector<256x64xf32>, vector<256x64xf32>, vector<256x64xf32>, vector<256x64xf32> -> vector<256x1024xf32>
    %concatenate3A_5 = tpu.concatenate %get3A_4, %get3A_4, %get3A_4, %get3A_4, %get3A_4, %get3A_4, %get3A_4, %get3A_4, %get3A_4, %get3A_4, %get3A_4, %get3A_4, %get3A_4, %get3A_4, %get3A_4, %get3A_4 in 1 : vector<256x64xf32>, vector<256x64xf32>, vector<256x64xf32>, vector<256x64xf32>, vector<256x64xf32>, vector<256x64xf32>, vector<256x64xf32>, vector<256x64xf32>, vector<256x64xf32>, vector<256x64xf32>, vector<256x64xf32>, vector<256x64xf32>, vector<256x64xf32>, vector<256x64xf32>, vector<256x64xf32>, vector<256x64xf32> -> vector<256x1024xf32>
    %concatenate3A_6 = tpu.concatenate %get3A_1, %get3A_1, %get3A_1, %get3A_1 in 1 : vector<256x64xf32>, vector<256x64xf32>, vector<256x64xf32>, vector<256x64xf32> -> vector<256x256xf32>
    %concatenate3A_7 = tpu.concatenate %get3A_4, %get3A_4, %get3A_4, %get3A_4 in 1 : vector<256x64xf32>, vector<256x64xf32>, vector<256x64xf32>, vector<256x64xf32> -> vector<256x256xf32>
    %get3A_8 = arith.constant 0 : index
    %get3A_9 = arith.constant 0 : index
    %get3A_10 = vector.load %arg1[%get3A_8, %get3A_9] : memref<256x1024xf32, #tpu.memory_space<vmem>>, vector<256x1024xf32>
    %get3A_11 = arith.constant 0 : index
    %get3A_12 = arith.constant 0 : index
    %get3A_13 = vector.load %arg2[%get3A_11, %get3A_12] : memref<1x1024xf32, #tpu.memory_space<vmem>>, vector<1x1024xf32>
    %get3A_14 = arith.constant 0 : index
    %get3A_15 = arith.constant 0 : index
    %get3A_16 = vector.load %arg3[%get3A_14, %get3A_15] : memref<1x1024xf32, #tpu.memory_space<vmem>>, vector<1x1024xf32>
    %mul3A = arith.mulf %get3A_10, %get3A_10 : vector<256x1024xf32>
    %reduce_sum3A = arith.constant dense<0.000000e+00> : vector<256xf32>
    %reduce_sum3A_17 = vector.multi_reduction <add>, %mul3A, %reduce_sum3A [1] : vector<256x1024xf32> to vector<256xf32>
    %broadcast_in_dim3A = vector.shape_cast %reduce_sum3A_17 : vector<256xf32> to vector<256x1xf32>
    %div3A = arith.constant 1.024000e+03 : f32
    %div3A_18 = vector.broadcast %div3A : f32 to vector<256x1xf32>
    %div3A_19 = arith.divf %broadcast_in_dim3A, %div3A_18 : vector<256x1xf32>
    %add3A = arith.constant 9.99999974E-6 : f32
    %add3A_20 = vector.broadcast %add3A : f32 to vector<256x1xf32>
    %add3A_21 = arith.addf %div3A_19, %add3A_20 : vector<256x1xf32>
    %rsqrt3A = math.rsqrt %add3A_21 : vector<256x1xf32>
    %mul3A_22 = vector.broadcast %rsqrt3A : vector<256x1xf32> to vector<256x1024xf32>
    %mul3A_23 = arith.mulf %get3A_10, %mul3A_22 : vector<256x1024xf32>
    %mul3A_24 = vector.broadcast %get3A_13 : vector<1x1024xf32> to vector<256x1024xf32>
    %mul3A_25 = arith.mulf %mul3A_24, %mul3A_23 : vector<256x1024xf32>
    %add3A_26 = vector.broadcast %get3A_16 : vector<1x1024xf32> to vector<256x1024xf32>
    %add3A_27 = arith.addf %mul3A_25, %add3A_26 : vector<256x1024xf32>
    %get3A_28 = arith.constant 0 : index
    %get3A_29 = arith.constant 0 : index
    %get3A_30 = vector.load %arg4[%get3A_28, %get3A_29] : memref<1024x1024xf32, #tpu.memory_space<vmem>>, vector<1024x1024xf32>
    %dot_general3A = arith.constant dense<0.000000e+00> : vector<256x1024xf32>
    %dot_general3A_31 = tpu.matmul %add3A_27, %get3A_30, %dot_general3A {dimension_numbers = #tpu.dot_dimension_numbers<[1], [1], [0], [0], [0, 0, 1, 0], [], []>, transpose_lhs_hint = false} : vector<256x1024xf32>, vector<1024x1024xf32>, vector<256x1024xf32> -> vector<256x1024xf32>
    %get3A_32 = arith.constant 0 : index
    %get3A_33 = arith.constant 0 : index
    %get3A_34 = vector.load %arg5[%get3A_32, %get3A_33] : memref<1x1024xf32, #tpu.memory_space<vmem>>, vector<1x1024xf32>
    %add3A_35 = vector.broadcast %get3A_34 : vector<1x1024xf32> to vector<256x1024xf32>
    %add3A_36 = arith.addf %dot_general3A_31, %add3A_35 : vector<256x1024xf32>
    %get3A_37 = arith.constant 0 : index
    %get3A_38 = arith.constant 0 : index
    %get3A_39 = vector.load %arg6[%get3A_37, %get3A_38] : memref<256x1024xf32, #tpu.memory_space<vmem>>, vector<256x1024xf32>
    %dot_general3A_40 = arith.constant dense<0.000000e+00> : vector<256x256xf32>
    %dot_general3A_41 = tpu.matmul %add3A_27, %get3A_39, %dot_general3A_40 {dimension_numbers = #tpu.dot_dimension_numbers<[1], [1], [0], [0], [0, 0, 1, 0], [], []>, transpose_lhs_hint = false} : vector<256x1024xf32>, vector<256x1024xf32>, vector<256x256xf32> -> vector<256x256xf32>
    %get3A_42 = arith.constant 0 : index
    %get3A_43 = arith.constant 0 : index
    %get3A_44 = vector.load %arg7[%get3A_42, %get3A_43] : memref<1x256xf32, #tpu.memory_space<vmem>>, vector<1x256xf32>
    %add3A_45 = vector.broadcast %get3A_44 : vector<1x256xf32> to vector<256x256xf32>
    %add3A_46 = arith.addf %dot_general3A_41, %add3A_45 : vector<256x256xf32>
    %get3A_47 = arith.constant 0 : index
    %get3A_48 = arith.constant 0 : index
    %get3A_49 = vector.load %arg8[%get3A_47, %get3A_48] : memref<256x1024xf32, #tpu.memory_space<vmem>>, vector<256x1024xf32>
    %dot_general3A_50 = arith.constant dense<0.000000e+00> : vector<256x256xf32>
    %dot_general3A_51 = tpu.matmul %add3A_27, %get3A_49, %dot_general3A_50 {dimension_numbers = #tpu.dot_dimension_numbers<[1], [1], [0], [0], [0, 0, 1, 0], [], []>, transpose_lhs_hint = false} : vector<256x1024xf32>, vector<256x1024xf32>, vector<256x256xf32> -> vector<256x256xf32>
    %get3A_52 = arith.constant 0 : index
    %get3A_53 = arith.constant 0 : index
    %get3A_54 = vector.load %arg9[%get3A_52, %get3A_53] : memref<1x256xf32, #tpu.memory_space<vmem>>, vector<1x256xf32>
    %add3A_55 = vector.broadcast %get3A_54 : vector<1x256xf32> to vector<256x256xf32>
    %add3A_56 = arith.addf %dot_general3A_51, %add3A_55 : vector<256x256xf32>
    %mul3A_57 = arith.mulf %add3A_36, %concatenate3A : vector<256x1024xf32>
    %get3A_58 = arith.constant 0 : index
    %get3A_59 = arith.constant 0 : index
    %get3A_60 = vector.load %arg12[%get3A_58, %get3A_59] : memref<1024x1024xf32, #tpu.memory_space<vmem>>, vector<1024x1024xf32>
    %dot_general3A_61 = arith.constant dense<0.000000e+00> : vector<256x1024xf32>
    %dot_general3A_62 = tpu.matmul %add3A_36, %get3A_60, %dot_general3A_61 {dimension_numbers = #tpu.dot_dimension_numbers<[1], [0], [0], [1], [0, 0, 1, 1], [], []>, transpose_lhs_hint = false} : vector<256x1024xf32>, vector<1024x1024xf32>, vector<256x1024xf32> -> vector<256x1024xf32>
    %mul3A_63 = arith.mulf %dot_general3A_62, %concatenate3A_5 : vector<256x1024xf32>
    %add3A_64 = arith.addf %mul3A_57, %mul3A_63 : vector<256x1024xf32>
    %mul3A_65 = arith.mulf %add3A_46, %concatenate3A_6 : vector<256x256xf32>
    %get3A_66 = arith.constant 0 : index
    %get3A_67 = arith.constant 0 : index
    %get3A_68 = vector.load %arg13[%get3A_66, %get3A_67] : memref<256x256xf32, #tpu.memory_space<vmem>>, vector<256x256xf32>
    %dot_general3A_69 = arith.constant dense<0.000000e+00> : vector<256x256xf32>
    %dot_general3A_70 = tpu.matmul %add3A_46, %get3A_68, %dot_general3A_69 {dimension_numbers = #tpu.dot_dimension_numbers<[1], [0], [0], [1], [0, 0, 1, 1], [], []>, transpose_lhs_hint = false} : vector<256x256xf32>, vector<256x256xf32>, vector<256x256xf32> -> vector<256x256xf32>
    %mul3A_71 = arith.mulf %dot_general3A_70, %concatenate3A_7 : vector<256x256xf32>
    %add3A_72 = arith.addf %mul3A_65, %mul3A_71 : vector<256x256xf32>
    %swap3A = arith.constant 0 : index
    %swap3A_73 = arith.constant 0 : index
    %swap3A_74 = vector.load %arg14[%swap3A, %swap3A_73] : memref<256x1024xf32, #tpu.memory_space<vmem>>, vector<256x1024xf32>
    tpu.vector_store %arg14[%swap3A, %swap3A_73], %add3A_64 {strides = array<i32>} : memref<256x1024xf32, #tpu.memory_space<vmem>>, vector<256x1024xf32>,
    %swap3A_75 = arith.constant 0 : index
    %swap3A_76 = arith.constant 0 : index
    %swap3A_77 = vector.load %arg15[%swap3A_75, %swap3A_76] : memref<256x256xf32, #tpu.memory_space<vmem>>, vector<256x256xf32>
    tpu.vector_store %arg15[%swap3A_75, %swap3A_76], %add3A_72 {strides = array<i32>} : memref<256x256xf32, #tpu.memory_space<vmem>>, vector<256x256xf32>,
    %swap3A_78 = arith.constant 0 : index
    %swap3A_79 = arith.constant 0 : index
    %swap3A_80 = vector.load %arg16[%swap3A_78, %swap3A_79] : memref<256x256xf32, #tpu.memory_space<vmem>>, vector<256x256xf32>
    tpu.vector_store %arg16[%swap3A_78, %swap3A_79], %add3A_56 {strides = array<i32>} : memref<256x256xf32, #tpu.memory_space<vmem>>, vector<256x256xf32>,
    return
  }
  func.func @transform_0(%arg0: i32) -> (i32, i32) {
    %c0_i32 = arith.constant 0 : i32
    %c0_i32_0 = arith.constant 0 : i32
    return %arg0, %c0_i32 : i32, i32
  }
  func.func @transform_1(%arg0: i32) -> (i32, i32) {
    %c0_i32 = arith.constant 0 : i32
    %c0_i32_0 = arith.constant 0 : i32
    %c0_i32_1 = arith.constant 0 : i32
    return %c0_i32, %c0_i32_0 : i32, i32
  }
  func.func @transform_2(%arg0: i32) -> (i32, i32) {
    %c0_i32 = arith.constant 0 : i32
    %c0_i32_0 = arith.constant 0 : i32
    %c0_i32_1 = arith.constant 0 : i32
    return %c0_i32, %c0_i32_0 : i32, i32
  }
  func.func @transform_3(%arg0: i32) -> (i32, i32) {
    %c0_i32 = arith.constant 0 : i32
    %c0_i32_0 = arith.constant 0 : i32
    %c0_i32_1 = arith.constant 0 : i32
    return %c0_i32, %c0_i32_0 : i32, i32
  }
  func.func @transform_4(%arg0: i32) -> (i32, i32) {
    %c0_i32 = arith.constant 0 : i32
    %c0_i32_0 = arith.constant 0 : i32
    %c0_i32_1 = arith.constant 0 : i32
    return %c0_i32, %c0_i32_0 : i32, i32
  }
  func.func @transform_5(%arg0: i32) -> (i32, i32) {
    %c0_i32 = arith.constant 0 : i32
    %c0_i32_0 = arith.constant 0 : i32
    %c0_i32_1 = arith.constant 0 : i32
    return %c0_i32, %c0_i32_0 : i32, i32
  }
  func.func @transform_6(%arg0: i32) -> (i32, i32) {
    %c0_i32 = arith.constant 0 : i32
    %c0_i32_0 = arith.constant 0 : i32
    %c0_i32_1 = arith.constant 0 : i32
    return %c0_i32, %c0_i32_0 : i32, i32
  }
  func.func @transform_7(%arg0: i32) -> (i32, i32) {
    %c0_i32 = arith.constant 0 : i32
    %c0_i32_0 = arith.constant 0 : i32
    %c0_i32_1 = arith.constant 0 : i32
    return %c0_i32, %c0_i32_0 : i32, i32
  }
  func.func @transform_8(%arg0: i32) -> (i32, i32) {
    %c0_i32 = arith.constant 0 : i32
    %c0_i32_0 = arith.constant 0 : i32
    %c0_i32_1 = arith.constant 0 : i32
    return %c0_i32, %c0_i32_0 : i32, i32
  }
  func.func @transform_9(%arg0: i32) -> (i32, i32) {
    %c0_i32 = arith.constant 0 : i32
    %c0_i32_0 = arith.constant 0 : i32
    return %arg0, %c0_i32 : i32, i32
  }
  func.func @transform_10(%arg0: i32) -> (i32, i32) {
    %c0_i32 = arith.constant 0 : i32
    %c0_i32_0 = arith.constant 0 : i32
    return %arg0, %c0_i32 : i32, i32
  }
  func.func @transform_11(%arg0: i32) -> (i32, i32) {
    %c0_i32 = arith.constant 0 : i32
    %c0_i32_0 = arith.constant 0 : i32
    %c0_i32_1 = arith.constant 0 : i32
    return %c0_i32, %c0_i32_0 : i32, i32
  }
  func.func @transform_12(%arg0: i32) -> (i32, i32) {
    %c0_i32 = arith.constant 0 : i32
    %c0_i32_0 = arith.constant 0 : i32
    %c0_i32_1 = arith.constant 0 : i32
    return %c0_i32, %c0_i32_0 : i32, i32
  }
  func.func @transform_13(%arg0: i32) -> (i32, i32) {
    %c0_i32 = arith.constant 0 : i32
    %c0_i32_0 = arith.constant 0 : i32
    return %arg0, %c0_i32 : i32, i32
  }
  func.func @transform_14(%arg0: i32) -> (i32, i32) {
    %c0_i32 = arith.constant 0 : i32
    %c0_i32_0 = arith.constant 0 : i32
    return %arg0, %c0_i32 : i32, i32
  }
  func.func @transform_15(%arg0: i32) -> (i32, i32) {
    %c0_i32 = arith.constant 0 : i32
    %c0_i32_0 = arith.constant 0 : i32
    return %arg0, %c0_i32 : i32, i32
  }
}

module attributes {stable_mosaic.version = 14 : i64} {
  func.func @_attn_body(%arg0: i32, %arg1: i32, %arg2: memref<256x128xf32, #tpu.memory_space<vmem>>, %arg3: memref<1x2048x64xf32, #tpu.memory_space<vmem>>, %arg4: memref<1x2048x64xf32, #tpu.memory_space<vmem>>, %arg5: memref<256x128xf32, #tpu.memory_space<vmem>>) attributes {dimension_semantics = [#tpu.dimension_semantics<arbitrary>, #tpu.dimension_semantics<arbitrary>], iteration_bounds = array<i64: 8, 4>, scalar_prefetch = 0 : i64, scratch_operands = 0 : i64, tpu.core_type = #tpu.core_type<tc>, window_params = [{transform_indices = @transform_0, window_bounds = array<i64: 256, 128>}, {transform_indices = @transform_1, window_bounds = array<i64: 1, 2048, 64>}, {transform_indices = @transform_2, window_bounds = array<i64: 1, 2048, 64>}, {transform_indices = @transform_3, window_bounds = array<i64: 256, 128>}]} {
    %get3A = arith.constant 0 : index
    %get3A_0 = arith.constant 0 : index
    %get3A_1 = vector.load %arg2[%get3A, %get3A_0] : memref<256x128xf32, #tpu.memory_space<vmem>>, vector<256x128xf32>
    %get3A_2 = arith.constant 0 : index
    %get3A_3 = arith.constant 0 : index
    %get3A_4 = arith.constant 0 : index
    %get3A_5 = vector.load %arg3[%get3A_2, %get3A_3, %get3A_4] : memref<1x2048x64xf32, #tpu.memory_space<vmem>>, vector<1x2048x64xf32>
    %get3A_6 = vector.shape_cast %get3A_5 : vector<1x2048x64xf32> to vector<2048x64xf32>
    %get3A_7 = arith.constant 0 : index
    %get3A_8 = arith.constant 0 : index
    %get3A_9 = arith.constant 0 : index
    %get3A_10 = vector.load %arg4[%get3A_7, %get3A_8, %get3A_9] : memref<1x2048x64xf32, #tpu.memory_space<vmem>>, vector<1x2048x64xf32>
    %get3A_11 = vector.shape_cast %get3A_10 : vector<1x2048x64xf32> to vector<2048x64xf32>
    %iota3A = tpu.iota {dimensions = array<i32: 0>} : vector<256x2048xi32>
    %add3A = arith.constant 1024 : i32
    %add3A_12 = vector.broadcast %add3A : i32 to vector<256x2048xi32>
    %add3A_13 = arith.addi %iota3A, %add3A_12 : vector<256x2048xi32>
    %mul3A = arith.constant 256 : i32
    %mul3A_14 = arith.muli %arg1, %mul3A : i32
    %add3A_15 = vector.broadcast %mul3A_14 : i32 to vector<256x2048xi32>
    %add3A_16 = arith.addi %add3A_13, %add3A_15 : vector<256x2048xi32>
    %iota3A_17 = tpu.iota {dimensions = array<i32: 1>} : vector<256x2048xi32>
    %ge3A = arith.cmpi sge, %add3A_16, %iota3A_17 : vector<256x2048xi32>
    %slice3A = vector.extract_strided_slice %get3A_1 {offsets = [0, 0], sizes = [256, 64], strides = [1, 1]} : vector<256x128xf32> to vector<256x64xf32>
    %dot_general3A = arith.constant dense<0.000000e+00> : vector<256x2048xf32>
    %dot_general3A_18 = tpu.matmul %slice3A, %get3A_6, %dot_general3A {dimension_numbers = #tpu.dot_dimension_numbers<[1], [1], [0], [0], [0, 0, 1, 0], [], []>, transpose_lhs_hint = false} : vector<256x64xf32>, vector<2048x64xf32>, vector<256x2048xf32> -> vector<256x2048xf32>
    %mul3A_19 = arith.constant 1.250000e-01 : f32
    %mul3A_20 = vector.broadcast %mul3A_19 : f32 to vector<256x2048xf32>
    %mul3A_21 = arith.mulf %dot_general3A_18, %mul3A_20 : vector<256x2048xf32>
    %jit3A = arith.constant -1.000000e+30 : f32
    %broadcast_in_dim3A = vector.broadcast %jit3A : f32 to vector<256x2048xf32>
    %select_n3A = arith.select %ge3A, %mul3A_21, %broadcast_in_dim3A : vector<256x2048xi1>, vector<256x2048xf32>
    %reduce_max3A = arith.constant dense<0xFF800000> : vector<256xf32>
    %reduce_max3A_22 = vector.multi_reduction <maximumf>, %select_n3A, %reduce_max3A [1] : vector<256x2048xf32> to vector<256xf32>
    %broadcast_in_dim3A_23 = vector.shape_cast %reduce_max3A_22 : vector<256xf32> to vector<256x1xf32>
    %sub3A = vector.broadcast %broadcast_in_dim3A_23 : vector<256x1xf32> to vector<256x2048xf32>
    %sub3A_24 = arith.subf %select_n3A, %sub3A : vector<256x2048xf32>
    %exp3A = math.exp %sub3A_24 : vector<256x2048xf32>
    %reduce_sum3A = arith.constant dense<0.000000e+00> : vector<256xf32>
    %reduce_sum3A_25 = vector.multi_reduction <add>, %exp3A, %reduce_sum3A [1] : vector<256x2048xf32> to vector<256xf32>
    %broadcast_in_dim3A_26 = vector.shape_cast %reduce_sum3A_25 : vector<256xf32> to vector<256x1xf32>
    %dot_general3A_27 = arith.constant dense<0.000000e+00> : vector<256x64xf32>
    %dot_general3A_28 = tpu.matmul %exp3A, %get3A_11, %dot_general3A_27 {dimension_numbers = #tpu.dot_dimension_numbers<[1], [0], [0], [1], [0, 0, 1, 1], [], []>, transpose_lhs_hint = false} : vector<256x2048xf32>, vector<2048x64xf32>, vector<256x64xf32> -> vector<256x64xf32>
    %div3A = vector.broadcast %broadcast_in_dim3A_26 : vector<256x1xf32> to vector<256x64xf32>
    %div3A_29 = arith.divf %dot_general3A_28, %div3A : vector<256x64xf32>
    %slice3A_30 = vector.extract_strided_slice %get3A_1 {offsets = [0, 64], sizes = [256, 64], strides = [1, 1]} : vector<256x128xf32> to vector<256x64xf32>
    %dot_general3A_31 = arith.constant dense<0.000000e+00> : vector<256x2048xf32>
    %dot_general3A_32 = tpu.matmul %slice3A_30, %get3A_6, %dot_general3A_31 {dimension_numbers = #tpu.dot_dimension_numbers<[1], [1], [0], [0], [0, 0, 1, 0], [], []>, transpose_lhs_hint = false} : vector<256x64xf32>, vector<2048x64xf32>, vector<256x2048xf32> -> vector<256x2048xf32>
    %mul3A_33 = arith.constant 1.250000e-01 : f32
    %mul3A_34 = vector.broadcast %mul3A_33 : f32 to vector<256x2048xf32>
    %mul3A_35 = arith.mulf %dot_general3A_32, %mul3A_34 : vector<256x2048xf32>
    %jit3A_36 = arith.constant -1.000000e+30 : f32
    %broadcast_in_dim3A_37 = vector.broadcast %jit3A_36 : f32 to vector<256x2048xf32>
    %select_n3A_38 = arith.select %ge3A, %mul3A_35, %broadcast_in_dim3A_37 : vector<256x2048xi1>, vector<256x2048xf32>
    %reduce_max3A_39 = arith.constant dense<0xFF800000> : vector<256xf32>
    %reduce_max3A_40 = vector.multi_reduction <maximumf>, %select_n3A_38, %reduce_max3A_39 [1] : vector<256x2048xf32> to vector<256xf32>
    %broadcast_in_dim3A_41 = vector.shape_cast %reduce_max3A_40 : vector<256xf32> to vector<256x1xf32>
    %sub3A_42 = vector.broadcast %broadcast_in_dim3A_41 : vector<256x1xf32> to vector<256x2048xf32>
    %sub3A_43 = arith.subf %select_n3A_38, %sub3A_42 : vector<256x2048xf32>
    %exp3A_44 = math.exp %sub3A_43 : vector<256x2048xf32>
    %reduce_sum3A_45 = arith.constant dense<0.000000e+00> : vector<256xf32>
    %reduce_sum3A_46 = vector.multi_reduction <add>, %exp3A_44, %reduce_sum3A_45 [1] : vector<256x2048xf32> to vector<256xf32>
    %broadcast_in_dim3A_47 = vector.shape_cast %reduce_sum3A_46 : vector<256xf32> to vector<256x1xf32>
    %dot_general3A_48 = arith.constant dense<0.000000e+00> : vector<256x64xf32>
    %dot_general3A_49 = tpu.matmul %exp3A_44, %get3A_11, %dot_general3A_48 {dimension_numbers = #tpu.dot_dimension_numbers<[1], [0], [0], [1], [0, 0, 1, 1], [], []>, transpose_lhs_hint = false} : vector<256x2048xf32>, vector<2048x64xf32>, vector<256x64xf32> -> vector<256x64xf32>
    %div3A_50 = vector.broadcast %broadcast_in_dim3A_47 : vector<256x1xf32> to vector<256x64xf32>
    %div3A_51 = arith.divf %dot_general3A_49, %div3A_50 : vector<256x64xf32>
    %concatenate3A = tpu.concatenate %div3A_29, %div3A_51 in 1 : vector<256x64xf32>, vector<256x64xf32> -> vector<256x128xf32>
    %swap3A = arith.constant 0 : index
    %swap3A_52 = arith.constant 0 : index
    %swap3A_53 = vector.load %arg5[%swap3A, %swap3A_52] : memref<256x128xf32, #tpu.memory_space<vmem>>, vector<256x128xf32>
    tpu.vector_store %arg5[%swap3A, %swap3A_52], %concatenate3A {strides = array<i32>} : memref<256x128xf32, #tpu.memory_space<vmem>>, vector<256x128xf32>,
    return
  }
  func.func @transform_0(%arg0: i32, %arg1: i32) -> (i32, i32) {
    %add3A = arith.constant 4 : i32
    %add3A_0 = arith.addi %arg1, %add3A : i32
    %c0_i32 = arith.constant 0 : i32
    return %add3A_0, %arg0 : i32, i32
  }
  func.func @transform_1(%arg0: i32, %arg1: i32) -> (i32, i32, i32) {
    %jit3A = arith.constant 2 : i32
    %div3A = arith.divsi %arg0, %jit3A : i32
    %sign3A = arith.constant 0 : i32
    %sign3A_0 = arith.cmpi sgt, %arg0, %sign3A : i32
    %sign3A_1 = arith.extui %sign3A_0 : i1 to i32
    %sign3A_2 = arith.constant 0 : i32
    %sign3A_3 = arith.cmpi slt, %arg0, %sign3A_2 : i32
    %sign3A_4 = arith.extui %sign3A_3 : i1 to i32
    %sign3A_5 = arith.subi %sign3A_1, %sign3A_4 : i32
    %sign3A_6 = arith.constant 0 : i32
    %sign3A_7 = arith.cmpi sgt, %jit3A, %sign3A_6 : i32
    %sign3A_8 = arith.extui %sign3A_7 : i1 to i32
    %sign3A_9 = arith.constant 0 : i32
    %sign3A_10 = arith.cmpi slt, %jit3A, %sign3A_9 : i32
    %sign3A_11 = arith.extui %sign3A_10 : i1 to i32
    %sign3A_12 = arith.subi %sign3A_8, %sign3A_11 : i32
    %ne3A = arith.cmpi ne, %sign3A_5, %sign3A_12 : i32
    %rem3A = arith.remsi %arg0, %jit3A : i32
    %ne3A_13 = arith.constant 0 : i32
    %ne3A_14 = arith.cmpi ne, %rem3A, %ne3A_13 : i32
    %and3A = arith.andi %ne3A, %ne3A_14 : i1
    %sub3A = arith.constant 1 : i32
    %sub3A_15 = arith.subi %div3A, %sub3A : i32
    %select_n3A = arith.select %and3A, %sub3A_15, %div3A : i32
    %c0_i32 = arith.constant 0 : i32
    %c0_i32_16 = arith.constant 0 : i32
    %c0_i32_17 = arith.constant 0 : i32
    return %select_n3A, %c0_i32, %c0_i32_16 : i32, i32, i32
  }
  func.func @transform_2(%arg0: i32, %arg1: i32) -> (i32, i32, i32) {
    %jit3A = arith.constant 2 : i32
    %div3A = arith.divsi %arg0, %jit3A : i32
    %sign3A = arith.constant 0 : i32
    %sign3A_0 = arith.cmpi sgt, %arg0, %sign3A : i32
    %sign3A_1 = arith.extui %sign3A_0 : i1 to i32
    %sign3A_2 = arith.constant 0 : i32
    %sign3A_3 = arith.cmpi slt, %arg0, %sign3A_2 : i32
    %sign3A_4 = arith.extui %sign3A_3 : i1 to i32
    %sign3A_5 = arith.subi %sign3A_1, %sign3A_4 : i32
    %sign3A_6 = arith.constant 0 : i32
    %sign3A_7 = arith.cmpi sgt, %jit3A, %sign3A_6 : i32
    %sign3A_8 = arith.extui %sign3A_7 : i1 to i32
    %sign3A_9 = arith.constant 0 : i32
    %sign3A_10 = arith.cmpi slt, %jit3A, %sign3A_9 : i32
    %sign3A_11 = arith.extui %sign3A_10 : i1 to i32
    %sign3A_12 = arith.subi %sign3A_8, %sign3A_11 : i32
    %ne3A = arith.cmpi ne, %sign3A_5, %sign3A_12 : i32
    %rem3A = arith.remsi %arg0, %jit3A : i32
    %ne3A_13 = arith.constant 0 : i32
    %ne3A_14 = arith.cmpi ne, %rem3A, %ne3A_13 : i32
    %and3A = arith.andi %ne3A, %ne3A_14 : i1
    %sub3A = arith.constant 1 : i32
    %sub3A_15 = arith.subi %div3A, %sub3A : i32
    %select_n3A = arith.select %and3A, %sub3A_15, %div3A : i32
    %c0_i32 = arith.constant 0 : i32
    %c0_i32_16 = arith.constant 0 : i32
    %c0_i32_17 = arith.constant 0 : i32
    return %select_n3A, %c0_i32, %c0_i32_16 : i32, i32, i32
  }
  func.func @transform_3(%arg0: i32, %arg1: i32) -> (i32, i32) {
    %c0_i32 = arith.constant 0 : i32
    return %arg1, %arg0 : i32, i32
  }
}

module attributes {stable_mosaic.version = 14 : i64} {
  func.func @_attn_body(%arg0: i32, %arg1: i32, %arg2: memref<256x128xf32, #tpu.memory_space<vmem>>, %arg3: memref<1x1024x64xf32, #tpu.memory_space<vmem>>, %arg4: memref<1x1024x64xf32, #tpu.memory_space<vmem>>, %arg5: memref<256x128xf32, #tpu.memory_space<vmem>>) attributes {dimension_semantics = [#tpu.dimension_semantics<arbitrary>, #tpu.dimension_semantics<arbitrary>], iteration_bounds = array<i64: 8, 4>, scalar_prefetch = 0 : i64, scratch_operands = 0 : i64, tpu.core_type = #tpu.core_type<tc>, window_params = [{transform_indices = @transform_0, window_bounds = array<i64: 256, 128>}, {transform_indices = @transform_1, window_bounds = array<i64: 1, 1024, 64>}, {transform_indices = @transform_2, window_bounds = array<i64: 1, 1024, 64>}, {transform_indices = @transform_3, window_bounds = array<i64: 256, 128>}]} {
    %get3A = arith.constant 0 : index
    %get3A_0 = arith.constant 0 : index
    %get3A_1 = vector.load %arg2[%get3A, %get3A_0] : memref<256x128xf32, #tpu.memory_space<vmem>>, vector<256x128xf32>
    %get3A_2 = arith.constant 0 : index
    %get3A_3 = arith.constant 0 : index
    %get3A_4 = arith.constant 0 : index
    %get3A_5 = vector.load %arg3[%get3A_2, %get3A_3, %get3A_4] : memref<1x1024x64xf32, #tpu.memory_space<vmem>>, vector<1x1024x64xf32>
    %get3A_6 = vector.shape_cast %get3A_5 : vector<1x1024x64xf32> to vector<1024x64xf32>
    %get3A_7 = arith.constant 0 : index
    %get3A_8 = arith.constant 0 : index
    %get3A_9 = arith.constant 0 : index
    %get3A_10 = vector.load %arg4[%get3A_7, %get3A_8, %get3A_9] : memref<1x1024x64xf32, #tpu.memory_space<vmem>>, vector<1x1024x64xf32>
    %get3A_11 = vector.shape_cast %get3A_10 : vector<1x1024x64xf32> to vector<1024x64xf32>
    %iota3A = tpu.iota {dimensions = array<i32: 0>} : vector<256x1024xi32>
    %add3A = arith.constant 0 : i32
    %add3A_12 = vector.broadcast %add3A : i32 to vector<256x1024xi32>
    %add3A_13 = arith.addi %iota3A, %add3A_12 : vector<256x1024xi32>
    %mul3A = arith.constant 256 : i32
    %mul3A_14 = arith.muli %arg1, %mul3A : i32
    %add3A_15 = vector.broadcast %mul3A_14 : i32 to vector<256x1024xi32>
    %add3A_16 = arith.addi %add3A_13, %add3A_15 : vector<256x1024xi32>
    %iota3A_17 = tpu.iota {dimensions = array<i32: 1>} : vector<256x1024xi32>
    %ge3A = arith.cmpi sge, %add3A_16, %iota3A_17 : vector<256x1024xi32>
    %slice3A = vector.extract_strided_slice %get3A_1 {offsets = [0, 0], sizes = [256, 64], strides = [1, 1]} : vector<256x128xf32> to vector<256x64xf32>
    %dot_general3A = arith.constant dense<0.000000e+00> : vector<256x1024xf32>
    %dot_general3A_18 = tpu.matmul %slice3A, %get3A_6, %dot_general3A {dimension_numbers = #tpu.dot_dimension_numbers<[1], [1], [0], [0], [0, 0, 1, 0], [], []>, transpose_lhs_hint = false} : vector<256x64xf32>, vector<1024x64xf32>, vector<256x1024xf32> -> vector<256x1024xf32>
    %mul3A_19 = arith.constant 1.250000e-01 : f32
    %mul3A_20 = vector.broadcast %mul3A_19 : f32 to vector<256x1024xf32>
    %mul3A_21 = arith.mulf %dot_general3A_18, %mul3A_20 : vector<256x1024xf32>
    %jit3A = arith.constant -1.000000e+30 : f32
    %broadcast_in_dim3A = vector.broadcast %jit3A : f32 to vector<256x1024xf32>
    %select_n3A = arith.select %ge3A, %mul3A_21, %broadcast_in_dim3A : vector<256x1024xi1>, vector<256x1024xf32>
    %reduce_max3A = arith.constant dense<0xFF800000> : vector<256xf32>
    %reduce_max3A_22 = vector.multi_reduction <maximumf>, %select_n3A, %reduce_max3A [1] : vector<256x1024xf32> to vector<256xf32>
    %broadcast_in_dim3A_23 = vector.shape_cast %reduce_max3A_22 : vector<256xf32> to vector<256x1xf32>
    %sub3A = vector.broadcast %broadcast_in_dim3A_23 : vector<256x1xf32> to vector<256x1024xf32>
    %sub3A_24 = arith.subf %select_n3A, %sub3A : vector<256x1024xf32>
    %exp3A = math.exp %sub3A_24 : vector<256x1024xf32>
    %reduce_sum3A = arith.constant dense<0.000000e+00> : vector<256xf32>
    %reduce_sum3A_25 = vector.multi_reduction <add>, %exp3A, %reduce_sum3A [1] : vector<256x1024xf32> to vector<256xf32>
    %broadcast_in_dim3A_26 = vector.shape_cast %reduce_sum3A_25 : vector<256xf32> to vector<256x1xf32>
    %dot_general3A_27 = arith.constant dense<0.000000e+00> : vector<256x64xf32>
    %dot_general3A_28 = tpu.matmul %exp3A, %get3A_11, %dot_general3A_27 {dimension_numbers = #tpu.dot_dimension_numbers<[1], [0], [0], [1], [0, 0, 1, 1], [], []>, transpose_lhs_hint = false} : vector<256x1024xf32>, vector<1024x64xf32>, vector<256x64xf32> -> vector<256x64xf32>
    %div3A = vector.broadcast %broadcast_in_dim3A_26 : vector<256x1xf32> to vector<256x64xf32>
    %div3A_29 = arith.divf %dot_general3A_28, %div3A : vector<256x64xf32>
    %slice3A_30 = vector.extract_strided_slice %get3A_1 {offsets = [0, 64], sizes = [256, 64], strides = [1, 1]} : vector<256x128xf32> to vector<256x64xf32>
    %dot_general3A_31 = arith.constant dense<0.000000e+00> : vector<256x1024xf32>
    %dot_general3A_32 = tpu.matmul %slice3A_30, %get3A_6, %dot_general3A_31 {dimension_numbers = #tpu.dot_dimension_numbers<[1], [1], [0], [0], [0, 0, 1, 0], [], []>, transpose_lhs_hint = false} : vector<256x64xf32>, vector<1024x64xf32>, vector<256x1024xf32> -> vector<256x1024xf32>
    %mul3A_33 = arith.constant 1.250000e-01 : f32
    %mul3A_34 = vector.broadcast %mul3A_33 : f32 to vector<256x1024xf32>
    %mul3A_35 = arith.mulf %dot_general3A_32, %mul3A_34 : vector<256x1024xf32>
    %jit3A_36 = arith.constant -1.000000e+30 : f32
    %broadcast_in_dim3A_37 = vector.broadcast %jit3A_36 : f32 to vector<256x1024xf32>
    %select_n3A_38 = arith.select %ge3A, %mul3A_35, %broadcast_in_dim3A_37 : vector<256x1024xi1>, vector<256x1024xf32>
    %reduce_max3A_39 = arith.constant dense<0xFF800000> : vector<256xf32>
    %reduce_max3A_40 = vector.multi_reduction <maximumf>, %select_n3A_38, %reduce_max3A_39 [1] : vector<256x1024xf32> to vector<256xf32>
    %broadcast_in_dim3A_41 = vector.shape_cast %reduce_max3A_40 : vector<256xf32> to vector<256x1xf32>
    %sub3A_42 = vector.broadcast %broadcast_in_dim3A_41 : vector<256x1xf32> to vector<256x1024xf32>
    %sub3A_43 = arith.subf %select_n3A_38, %sub3A_42 : vector<256x1024xf32>
    %exp3A_44 = math.exp %sub3A_43 : vector<256x1024xf32>
    %reduce_sum3A_45 = arith.constant dense<0.000000e+00> : vector<256xf32>
    %reduce_sum3A_46 = vector.multi_reduction <add>, %exp3A_44, %reduce_sum3A_45 [1] : vector<256x1024xf32> to vector<256xf32>
    %broadcast_in_dim3A_47 = vector.shape_cast %reduce_sum3A_46 : vector<256xf32> to vector<256x1xf32>
    %dot_general3A_48 = arith.constant dense<0.000000e+00> : vector<256x64xf32>
    %dot_general3A_49 = tpu.matmul %exp3A_44, %get3A_11, %dot_general3A_48 {dimension_numbers = #tpu.dot_dimension_numbers<[1], [0], [0], [1], [0, 0, 1, 1], [], []>, transpose_lhs_hint = false} : vector<256x1024xf32>, vector<1024x64xf32>, vector<256x64xf32> -> vector<256x64xf32>
    %div3A_50 = vector.broadcast %broadcast_in_dim3A_47 : vector<256x1xf32> to vector<256x64xf32>
    %div3A_51 = arith.divf %dot_general3A_49, %div3A_50 : vector<256x64xf32>
    %concatenate3A = tpu.concatenate %div3A_29, %div3A_51 in 1 : vector<256x64xf32>, vector<256x64xf32> -> vector<256x128xf32>
    %swap3A = arith.constant 0 : index
    %swap3A_52 = arith.constant 0 : index
    %swap3A_53 = vector.load %arg5[%swap3A, %swap3A_52] : memref<256x128xf32, #tpu.memory_space<vmem>>, vector<256x128xf32>
    tpu.vector_store %arg5[%swap3A, %swap3A_52], %concatenate3A {strides = array<i32>} : memref<256x128xf32, #tpu.memory_space<vmem>>, vector<256x128xf32>,
    return
  }
  func.func @transform_0(%arg0: i32, %arg1: i32) -> (i32, i32) {
    %add3A = arith.constant 0 : i32
    %add3A_0 = arith.addi %arg1, %add3A : i32
    %c0_i32 = arith.constant 0 : i32
    return %add3A_0, %arg0 : i32, i32
  }
  func.func @transform_1(%arg0: i32, %arg1: i32) -> (i32, i32, i32) {
    %jit3A = arith.constant 2 : i32
    %div3A = arith.divsi %arg0, %jit3A : i32
    %sign3A = arith.constant 0 : i32
    %sign3A_0 = arith.cmpi sgt, %arg0, %sign3A : i32
    %sign3A_1 = arith.extui %sign3A_0 : i1 to i32
    %sign3A_2 = arith.constant 0 : i32
    %sign3A_3 = arith.cmpi slt, %arg0, %sign3A_2 : i32
    %sign3A_4 = arith.extui %sign3A_3 : i1 to i32
    %sign3A_5 = arith.subi %sign3A_1, %sign3A_4 : i32
    %sign3A_6 = arith.constant 0 : i32
    %sign3A_7 = arith.cmpi sgt, %jit3A, %sign3A_6 : i32
    %sign3A_8 = arith.extui %sign3A_7 : i1 to i32
    %sign3A_9 = arith.constant 0 : i32
    %sign3A_10 = arith.cmpi slt, %jit3A, %sign3A_9 : i32
    %sign3A_11 = arith.extui %sign3A_10 : i1 to i32
    %sign3A_12 = arith.subi %sign3A_8, %sign3A_11 : i32
    %ne3A = arith.cmpi ne, %sign3A_5, %sign3A_12 : i32
    %rem3A = arith.remsi %arg0, %jit3A : i32
    %ne3A_13 = arith.constant 0 : i32
    %ne3A_14 = arith.cmpi ne, %rem3A, %ne3A_13 : i32
    %and3A = arith.andi %ne3A, %ne3A_14 : i1
    %sub3A = arith.constant 1 : i32
    %sub3A_15 = arith.subi %div3A, %sub3A : i32
    %select_n3A = arith.select %and3A, %sub3A_15, %div3A : i32
    %c0_i32 = arith.constant 0 : i32
    %c0_i32_16 = arith.constant 0 : i32
    %c0_i32_17 = arith.constant 0 : i32
    return %select_n3A, %c0_i32, %c0_i32_16 : i32, i32, i32
  }
  func.func @transform_2(%arg0: i32, %arg1: i32) -> (i32, i32, i32) {
    %jit3A = arith.constant 2 : i32
    %div3A = arith.divsi %arg0, %jit3A : i32
    %sign3A = arith.constant 0 : i32
    %sign3A_0 = arith.cmpi sgt, %arg0, %sign3A : i32
    %sign3A_1 = arith.extui %sign3A_0 : i1 to i32
    %sign3A_2 = arith.constant 0 : i32
    %sign3A_3 = arith.cmpi slt, %arg0, %sign3A_2 : i32
    %sign3A_4 = arith.extui %sign3A_3 : i1 to i32
    %sign3A_5 = arith.subi %sign3A_1, %sign3A_4 : i32
    %sign3A_6 = arith.constant 0 : i32
    %sign3A_7 = arith.cmpi sgt, %jit3A, %sign3A_6 : i32
    %sign3A_8 = arith.extui %sign3A_7 : i1 to i32
    %sign3A_9 = arith.constant 0 : i32
    %sign3A_10 = arith.cmpi slt, %jit3A, %sign3A_9 : i32
    %sign3A_11 = arith.extui %sign3A_10 : i1 to i32
    %sign3A_12 = arith.subi %sign3A_8, %sign3A_11 : i32
    %ne3A = arith.cmpi ne, %sign3A_5, %sign3A_12 : i32
    %rem3A = arith.remsi %arg0, %jit3A : i32
    %ne3A_13 = arith.constant 0 : i32
    %ne3A_14 = arith.cmpi ne, %rem3A, %ne3A_13 : i32
    %and3A = arith.andi %ne3A, %ne3A_14 : i1
    %sub3A = arith.constant 1 : i32
    %sub3A_15 = arith.subi %div3A, %sub3A : i32
    %select_n3A = arith.select %and3A, %sub3A_15, %div3A : i32
    %c0_i32 = arith.constant 0 : i32
    %c0_i32_16 = arith.constant 0 : i32
    %c0_i32_17 = arith.constant 0 : i32
    return %select_n3A, %c0_i32, %c0_i32_16 : i32, i32, i32
  }
  func.func @transform_3(%arg0: i32, %arg1: i32) -> (i32, i32) {
    %c0_i32 = arith.constant 0 : i32
    return %arg1, %arg0 : i32, i32
  }
}

module attributes {stable_mosaic.version = 14 : i64} {
  func.func @_postattn_body(%arg0: i32, %arg1: memref<256x1024xf32, #tpu.memory_space<vmem>>, %arg2: memref<256x1024xf32, #tpu.memory_space<vmem>>, %arg3: memref<1024x1024xf32, #tpu.memory_space<vmem>>, %arg4: memref<1x1024xf32, #tpu.memory_space<vmem>>, %arg5: memref<1x1024xf32, #tpu.memory_space<vmem>>, %arg6: memref<1x1024xf32, #tpu.memory_space<vmem>>, %arg7: memref<128x1024xf32, #tpu.memory_space<vmem>>, %arg8: memref<256x1024xf32, #tpu.memory_space<vmem>>, %arg9: memref<256x1024xf32, #tpu.memory_space<vmem>>, %arg10: memref<256x128xf32, #tpu.memory_space<vmem>>, %arg11: memref<256x128xi32, #tpu.memory_space<vmem>>, %arg12: memref<256x128xf32, #tpu.memory_space<vmem>>) attributes {dimension_semantics = [#tpu.dimension_semantics<arbitrary>], iteration_bounds = array<i64: 8>, scalar_prefetch = 0 : i64, scratch_operands = 0 : i64, tpu.core_type = #tpu.core_type<tc>, window_params = [{transform_indices = @transform_0, window_bounds = array<i64: 256, 1024>}, {transform_indices = @transform_1, window_bounds = array<i64: 256, 1024>}, {pipeline_mode = #tpu.pipeline_mode<synchronous>, transform_indices = @transform_2, window_bounds = array<i64: 1024, 1024>}, {pipeline_mode = #tpu.pipeline_mode<synchronous>, transform_indices = @transform_3, window_bounds = array<i64: 1, 1024>}, {pipeline_mode = #tpu.pipeline_mode<synchronous>, transform_indices = @transform_4, window_bounds = array<i64: 1, 1024>}, {pipeline_mode = #tpu.pipeline_mode<synchronous>, transform_indices = @transform_5, window_bounds = array<i64: 1, 1024>}, {pipeline_mode = #tpu.pipeline_mode<synchronous>, transform_indices = @transform_6, window_bounds = array<i64: 128, 1024>}, {transform_indices = @transform_7, window_bounds = array<i64: 256, 1024>}, {transform_indices = @transform_8, window_bounds = array<i64: 256, 1024>}, {transform_indices = @transform_9, window_bounds = array<i64: 256, 128>}, {transform_indices = @transform_10, window_bounds = array<i64: 256, 128>}, {transform_indices = @transform_11, window_bounds = array<i64: 256, 128>}]} {
    %get3A = arith.constant 0 : index
    %get3A_0 = arith.constant 0 : index
    %get3A_1 = vector.load %arg1[%get3A, %get3A_0] : memref<256x1024xf32, #tpu.memory_space<vmem>>, vector<256x1024xf32>
    %get3A_2 = arith.constant 0 : index
    %get3A_3 = arith.constant 0 : index
    %get3A_4 = vector.load %arg3[%get3A_2, %get3A_3] : memref<1024x1024xf32, #tpu.memory_space<vmem>>, vector<1024x1024xf32>
    %dot_general3A = arith.constant dense<0.000000e+00> : vector<256x1024xf32>
    %dot_general3A_5 = tpu.matmul %get3A_1, %get3A_4, %dot_general3A {dimension_numbers = #tpu.dot_dimension_numbers<[1], [1], [0], [0], [0, 0, 1, 0], [], []>, transpose_lhs_hint = false} : vector<256x1024xf32>, vector<1024x1024xf32>, vector<256x1024xf32> -> vector<256x1024xf32>
    %get3A_6 = arith.constant 0 : index
    %get3A_7 = arith.constant 0 : index
    %get3A_8 = vector.load %arg4[%get3A_6, %get3A_7] : memref<1x1024xf32, #tpu.memory_space<vmem>>, vector<1x1024xf32>
    %add3A = vector.broadcast %get3A_8 : vector<1x1024xf32> to vector<256x1024xf32>
    %add3A_9 = arith.addf %dot_general3A_5, %add3A : vector<256x1024xf32>
    %get3A_10 = arith.constant 0 : index
    %get3A_11 = arith.constant 0 : index
    %get3A_12 = vector.load %arg2[%get3A_10, %get3A_11] : memref<256x1024xf32, #tpu.memory_space<vmem>>, vector<256x1024xf32>
    %add3A_13 = arith.addf %add3A_9, %get3A_12 : vector<256x1024xf32>
    %get3A_14 = arith.constant 0 : index
    %get3A_15 = arith.constant 0 : index
    %get3A_16 = vector.load %arg5[%get3A_14, %get3A_15] : memref<1x1024xf32, #tpu.memory_space<vmem>>, vector<1x1024xf32>
    %get3A_17 = arith.constant 0 : index
    %get3A_18 = arith.constant 0 : index
    %get3A_19 = vector.load %arg6[%get3A_17, %get3A_18] : memref<1x1024xf32, #tpu.memory_space<vmem>>, vector<1x1024xf32>
    %mul3A = arith.mulf %add3A_13, %add3A_13 : vector<256x1024xf32>
    %reduce_sum3A = arith.constant dense<0.000000e+00> : vector<256xf32>
    %reduce_sum3A_20 = vector.multi_reduction <add>, %mul3A, %reduce_sum3A [1] : vector<256x1024xf32> to vector<256xf32>
    %broadcast_in_dim3A = vector.shape_cast %reduce_sum3A_20 : vector<256xf32> to vector<256x1xf32>
    %div3A = arith.constant 1.024000e+03 : f32
    %div3A_21 = vector.broadcast %div3A : f32 to vector<256x1xf32>
    %div3A_22 = arith.divf %broadcast_in_dim3A, %div3A_21 : vector<256x1xf32>
    %add3A_23 = arith.constant 9.99999974E-6 : f32
    %add3A_24 = vector.broadcast %add3A_23 : f32 to vector<256x1xf32>
    %add3A_25 = arith.addf %div3A_22, %add3A_24 : vector<256x1xf32>
    %rsqrt3A = math.rsqrt %add3A_25 : vector<256x1xf32>
    %mul3A_26 = vector.broadcast %rsqrt3A : vector<256x1xf32> to vector<256x1024xf32>
    %mul3A_27 = arith.mulf %add3A_13, %mul3A_26 : vector<256x1024xf32>
    %mul3A_28 = vector.broadcast %get3A_16 : vector<1x1024xf32> to vector<256x1024xf32>
    %mul3A_29 = arith.mulf %mul3A_28, %mul3A_27 : vector<256x1024xf32>
    %add3A_30 = vector.broadcast %get3A_19 : vector<1x1024xf32> to vector<256x1024xf32>
    %add3A_31 = arith.addf %mul3A_29, %add3A_30 : vector<256x1024xf32>
    %get3A_32 = arith.constant 0 : index
    %get3A_33 = arith.constant 0 : index
    %get3A_34 = vector.load %arg7[%get3A_32, %get3A_33] : memref<128x1024xf32, #tpu.memory_space<vmem>>, vector<128x1024xf32>
    %dot_general3A_35 = arith.constant dense<0.000000e+00> : vector<256x128xf32>
    %dot_general3A_36 = tpu.matmul %add3A_31, %get3A_34, %dot_general3A_35 {dimension_numbers = #tpu.dot_dimension_numbers<[1], [1], [0], [0], [0, 0, 1, 0], [], []>, transpose_lhs_hint = false} : vector<256x1024xf32>, vector<128x1024xf32>, vector<256x128xf32> -> vector<256x128xf32>
    %iota3A = tpu.iota {dimensions = array<i32: 1>} : vector<256x128xi32>
    %lt3A = arith.constant 8 : i32
    %lt3A_37 = vector.broadcast %lt3A : i32 to vector<256x128xi32>
    %lt3A_38 = arith.cmpi slt, %iota3A, %lt3A_37 : vector<256x128xi32>
    %jit3A = arith.constant -1.000000e+30 : f32
    %broadcast_in_dim3A_39 = vector.broadcast %jit3A : f32 to vector<256x128xf32>
    %select_n3A = arith.select %lt3A_38, %dot_general3A_36, %broadcast_in_dim3A_39 : vector<256x128xi1>, vector<256x128xf32>
    %reduce_max3A = arith.constant dense<0xFF800000> : vector<256xf32>
    %reduce_max3A_40 = vector.multi_reduction <maximumf>, %select_n3A, %reduce_max3A [1] : vector<256x128xf32> to vector<256xf32>
    %broadcast_in_dim3A_41 = vector.shape_cast %reduce_max3A_40 : vector<256xf32> to vector<256x1xf32>
    %eq3A = vector.broadcast %broadcast_in_dim3A_41 : vector<256x1xf32> to vector<256x128xf32>
    %eq3A_42 = arith.cmpf oeq, %select_n3A, %eq3A : vector<256x128xf32>
    %jit3A_43 = arith.constant 127 : i32
    %broadcast_in_dim3A_44 = vector.broadcast %jit3A_43 : i32 to vector<256x128xi32>
    %select_n3A_45 = arith.select %eq3A_42, %iota3A, %broadcast_in_dim3A_44 : vector<256x128xi1>, vector<256x128xi32>
    %reduce_min3A = arith.constant dense<2147483647> : vector<256xi32>
    %reduce_min3A_46 = vector.multi_reduction <minsi>, %select_n3A_45, %reduce_min3A [1] : vector<256x128xi32> to vector<256xi32>
    %broadcast_in_dim3A_47 = vector.shape_cast %reduce_min3A_46 : vector<256xi32> to vector<256x1xi32>
    %eq3A_48 = vector.broadcast %broadcast_in_dim3A_47 : vector<256x1xi32> to vector<256x128xi32>
    %eq3A_49 = arith.cmpi eq, %iota3A, %eq3A_48 : vector<256x128xi32>
    %jit3A_50 = arith.constant -1.000000e+30 : f32
    %broadcast_in_dim3A_51 = vector.broadcast %jit3A_50 : f32 to vector<256x128xf32>
    %select_n3A_52 = arith.select %eq3A_49, %broadcast_in_dim3A_51, %select_n3A : vector<256x128xi1>, vector<256x128xf32>
    %reduce_max3A_53 = arith.constant dense<0xFF800000> : vector<256xf32>
    %reduce_max3A_54 = vector.multi_reduction <maximumf>, %select_n3A_52, %reduce_max3A_53 [1] : vector<256x128xf32> to vector<256xf32>
    %broadcast_in_dim3A_55 = vector.shape_cast %reduce_max3A_54 : vector<256xf32> to vector<256x1xf32>
    %eq3A_56 = vector.broadcast %broadcast_in_dim3A_55 : vector<256x1xf32> to vector<256x128xf32>
    %eq3A_57 = arith.cmpf oeq, %select_n3A_52, %eq3A_56 : vector<256x128xf32>
    %jit3A_58 = arith.constant 127 : i32
    %broadcast_in_dim3A_59 = vector.broadcast %jit3A_58 : i32 to vector<256x128xi32>
    %select_n3A_60 = arith.select %eq3A_57, %iota3A, %broadcast_in_dim3A_59 : vector<256x128xi1>, vector<256x128xi32>
    %reduce_min3A_61 = arith.constant dense<2147483647> : vector<256xi32>
    %reduce_min3A_62 = vector.multi_reduction <minsi>, %select_n3A_60, %reduce_min3A_61 [1] : vector<256x128xi32> to vector<256xi32>
    %broadcast_in_dim3A_63 = vector.shape_cast %reduce_min3A_62 : vector<256xi32> to vector<256x1xi32>
    %sub3A = arith.subf %broadcast_in_dim3A_55, %broadcast_in_dim3A_41 : vector<256x1xf32>
    %exp3A = math.exp %sub3A : vector<256x1xf32>
    %add3A_64 = arith.constant 1.000000e+00 : f32
    %add3A_65 = vector.broadcast %add3A_64 : f32 to vector<256x1xf32>
    %add3A_66 = arith.addf %add3A_65, %exp3A : vector<256x1xf32>
    %div3A_67 = arith.constant 1.000000e+00 : f32
    %div3A_68 = vector.broadcast %div3A_67 : f32 to vector<256x1xf32>
    %div3A_69 = arith.divf %div3A_68, %add3A_66 : vector<256x1xf32>
    %sub3A_70 = arith.constant 1.000000e+00 : f32
    %sub3A_71 = vector.broadcast %sub3A_70 : f32 to vector<256x1xf32>
    %sub3A_72 = arith.subf %sub3A_71, %div3A_69 : vector<256x1xf32>
    %swap3A = arith.constant 0 : index
    %swap3A_73 = arith.constant 0 : index
    %swap3A_74 = vector.load %arg8[%swap3A, %swap3A_73] : memref<256x1024xf32, #tpu.memory_space<vmem>>, vector<256x1024xf32>
    tpu.vector_store %arg8[%swap3A, %swap3A_73], %add3A_13 {strides = array<i32>} : memref<256x1024xf32, #tpu.memory_space<vmem>>, vector<256x1024xf32>,
    %swap3A_75 = arith.constant 0 : index
    %swap3A_76 = arith.constant 0 : index
    %swap3A_77 = vector.load %arg9[%swap3A_75, %swap3A_76] : memref<256x1024xf32, #tpu.memory_space<vmem>>, vector<256x1024xf32>
    tpu.vector_store %arg9[%swap3A_75, %swap3A_76], %add3A_31 {strides = array<i32>} : memref<256x1024xf32, #tpu.memory_space<vmem>>, vector<256x1024xf32>,
    %swap3A_78 = arith.constant 0 : index
    %swap3A_79 = arith.constant 0 : index
    %swap3A_80 = vector.load %arg10[%swap3A_78, %swap3A_79] : memref<256x128xf32, #tpu.memory_space<vmem>>, vector<256x128xf32>
    tpu.vector_store %arg10[%swap3A_78, %swap3A_79], %select_n3A {strides = array<i32>} : memref<256x128xf32, #tpu.memory_space<vmem>>, vector<256x128xf32>,
    %eq3A_81 = arith.constant 0 : i32
    %eq3A_82 = vector.broadcast %eq3A_81 : i32 to vector<256x128xi32>
    %eq3A_83 = arith.cmpi eq, %iota3A, %eq3A_82 : vector<256x128xi32>
    %eq3A_84 = arith.constant 1 : i32
    %eq3A_85 = vector.broadcast %eq3A_84 : i32 to vector<256x128xi32>
    %eq3A_86 = arith.cmpi eq, %iota3A, %eq3A_85 : vector<256x128xi32>
    %jit3A_87 = arith.constant 0 : i32
    %broadcast_in_dim3A_88 = vector.shape_cast %broadcast_in_dim3A_63 : vector<256x1xi32> to vector<256x1xi32>
    %broadcast_in_dim3A_89 = vector.broadcast %broadcast_in_dim3A_88 : vector<256x1xi32> to vector<256x128xi32>
    %broadcast_in_dim3A_90 = vector.broadcast %jit3A_87 : i32 to vector<256x128xi32>
    %select_n3A_91 = arith.select %eq3A_86, %broadcast_in_dim3A_89, %broadcast_in_dim3A_90 : vector<256x128xi1>, vector<256x128xi32>
    %broadcast_in_dim3A_92 = vector.shape_cast %broadcast_in_dim3A_47 : vector<256x1xi32> to vector<256x1xi32>
    %broadcast_in_dim3A_93 = vector.broadcast %broadcast_in_dim3A_92 : vector<256x1xi32> to vector<256x128xi32>
    %select_n3A_94 = arith.select %eq3A_83, %broadcast_in_dim3A_93, %select_n3A_91 : vector<256x128xi1>, vector<256x128xi32>
    %swap3A_95 = arith.constant 0 : index
    %swap3A_96 = arith.constant 0 : index
    %swap3A_97 = vector.load %arg11[%swap3A_95, %swap3A_96] : memref<256x128xi32, #tpu.memory_space<vmem>>, vector<256x128xi32>
    tpu.vector_store %arg11[%swap3A_95, %swap3A_96], %select_n3A_94 {strides = array<i32>} : memref<256x128xi32, #tpu.memory_space<vmem>>, vector<256x128xi32>,
    %eq3A_98 = arith.constant 0 : i32
    %eq3A_99 = vector.broadcast %eq3A_98 : i32 to vector<256x128xi32>
    %eq3A_100 = arith.cmpi eq, %iota3A, %eq3A_99 : vector<256x128xi32>
    %eq3A_101 = arith.constant 1 : i32
    %eq3A_102 = vector.broadcast %eq3A_101 : i32 to vector<256x128xi32>
    %eq3A_103 = arith.cmpi eq, %iota3A, %eq3A_102 : vector<256x128xi32>
    %jit3A_104 = arith.constant 0.000000e+00 : f32
    %broadcast_in_dim3A_105 = vector.shape_cast %sub3A_72 : vector<256x1xf32> to vector<256x1xf32>
    %broadcast_in_dim3A_106 = vector.broadcast %broadcast_in_dim3A_105 : vector<256x1xf32> to vector<256x128xf32>
    %broadcast_in_dim3A_107 = vector.broadcast %jit3A_104 : f32 to vector<256x128xf32>
    %select_n3A_108 = arith.select %eq3A_103, %broadcast_in_dim3A_106, %broadcast_in_dim3A_107 : vector<256x128xi1>, vector<256x128xf32>
    %broadcast_in_dim3A_109 = vector.shape_cast %div3A_69 : vector<256x1xf32> to vector<256x1xf32>
    %broadcast_in_dim3A_110 = vector.broadcast %broadcast_in_dim3A_109 : vector<256x1xf32> to vector<256x128xf32>
    %select_n3A_111 = arith.select %eq3A_100, %broadcast_in_dim3A_110, %select_n3A_108 : vector<256x128xi1>, vector<256x128xf32>
    %swap3A_112 = arith.constant 0 : index
    %swap3A_113 = arith.constant 0 : index
    %swap3A_114 = vector.load %arg12[%swap3A_112, %swap3A_113] : memref<256x128xf32, #tpu.memory_space<vmem>>, vector<256x128xf32>
    tpu.vector_store %arg12[%swap3A_112, %swap3A_113], %select_n3A_111 {strides = array<i32>} : memref<256x128xf32, #tpu.memory_space<vmem>>, vector<256x128xf32>,
    return
  }
  func.func @transform_0(%arg0: i32) -> (i32, i32) {
    %c0_i32 = arith.constant 0 : i32
    %c0_i32_0 = arith.constant 0 : i32
    return %arg0, %c0_i32 : i32, i32
  }
  func.func @transform_1(%arg0: i32) -> (i32, i32) {
    %c0_i32 = arith.constant 0 : i32
    %c0_i32_0 = arith.constant 0 : i32
    return %arg0, %c0_i32 : i32, i32
  }
  func.func @transform_2(%arg0: i32) -> (i32, i32) {
    %c0_i32 = arith.constant 0 : i32
    %c0_i32_0 = arith.constant 0 : i32
    %c0_i32_1 = arith.constant 0 : i32
    return %c0_i32, %c0_i32_0 : i32, i32
  }
  func.func @transform_3(%arg0: i32) -> (i32, i32) {
    %c0_i32 = arith.constant 0 : i32
    %c0_i32_0 = arith.constant 0 : i32
    %c0_i32_1 = arith.constant 0 : i32
    return %c0_i32, %c0_i32_0 : i32, i32
  }
  func.func @transform_4(%arg0: i32) -> (i32, i32) {
    %c0_i32 = arith.constant 0 : i32
    %c0_i32_0 = arith.constant 0 : i32
    %c0_i32_1 = arith.constant 0 : i32
    return %c0_i32, %c0_i32_0 : i32, i32
  }
  func.func @transform_5(%arg0: i32) -> (i32, i32) {
    %c0_i32 = arith.constant 0 : i32
    %c0_i32_0 = arith.constant 0 : i32
    %c0_i32_1 = arith.constant 0 : i32
    return %c0_i32, %c0_i32_0 : i32, i32
  }
  func.func @transform_6(%arg0: i32) -> (i32, i32) {
    %c0_i32 = arith.constant 0 : i32
    %c0_i32_0 = arith.constant 0 : i32
    %c0_i32_1 = arith.constant 0 : i32
    return %c0_i32, %c0_i32_0 : i32, i32
  }
  func.func @transform_7(%arg0: i32) -> (i32, i32) {
    %c0_i32 = arith.constant 0 : i32
    %c0_i32_0 = arith.constant 0 : i32
    return %arg0, %c0_i32 : i32, i32
  }
  func.func @transform_8(%arg0: i32) -> (i32, i32) {
    %c0_i32 = arith.constant 0 : i32
    %c0_i32_0 = arith.constant 0 : i32
    return %arg0, %c0_i32 : i32, i32
  }
  func.func @transform_9(%arg0: i32) -> (i32, i32) {
    %c0_i32 = arith.constant 0 : i32
    %c0_i32_0 = arith.constant 0 : i32
    return %arg0, %c0_i32 : i32, i32
  }
  func.func @transform_10(%arg0: i32) -> (i32, i32) {
    %c0_i32 = arith.constant 0 : i32
    %c0_i32_0 = arith.constant 0 : i32
    return %arg0, %c0_i32 : i32, i32
  }
  func.func @transform_11(%arg0: i32) -> (i32, i32) {
    %c0_i32 = arith.constant 0 : i32
    %c0_i32_0 = arith.constant 0 : i32
    return %arg0, %c0_i32 : i32, i32
  }
}

module attributes {stable_mosaic.version = 14 : i64} {
  func.func @_moe_body(%arg0: i32, %arg1: memref<24xi32, #tpu.memory_space<smem>>, %arg2: memref<256x1024xf32, #tpu.memory_space<vmem>>, %arg3: memref<1x2048x1024xf32, #tpu.memory_space<vmem>>, %arg4: memref<1x1024x2048xf32, #tpu.memory_space<vmem>>, %arg5: memref<1x2048x1024xf32, #tpu.memory_space<vmem>>, %arg6: memref<256x8xf32, #tpu.memory_space<vmem>>, %arg7: memref<256x1024xf32, #tpu.memory_space<vmem>>) attributes {dimension_semantics = [#tpu.dimension_semantics<arbitrary>], iteration_bounds = array<i64: 24>, scalar_prefetch = 1 : i64, scratch_operands = 0 : i64, tpu.core_type = #tpu.core_type<tc>, window_params = [{transform_indices = @transform_0, window_bounds = array<i64: 256, 1024>}, {transform_indices = @transform_1, window_bounds = array<i64: 1, 2048, 1024>}, {transform_indices = @transform_2, window_bounds = array<i64: 1, 1024, 2048>}, {transform_indices = @transform_3, window_bounds = array<i64: 1, 2048, 1024>}, {transform_indices = @transform_4, window_bounds = array<i64: 256, 8>}, {transform_indices = @transform_5, window_bounds = array<i64: 256, 1024>}]} {
    %get3A = arith.index_cast %arg0 : i32 to index
    %get3A_0 = memref.load %arg1[%get3A] : memref<24xi32, #tpu.memory_space<smem>>
    %ge3A = arith.constant 0 : i32
    %ge3A_1 = arith.cmpi sge, %get3A_0, %ge3A : i32
    %convert_element_type3A = arith.extui %ge3A_1 : i1 to i32
    %cond3A = arith.constant 0 : i32
    %cond3A_2 = arith.cmpi ne, %convert_element_type3A, %cond3A : i32
    scf.if %cond3A_2 {
      %get3A_3 = arith.constant 0 : index
      %get3A_4 = arith.constant 0 : index
      %get3A_5 = vector.load %arg2[%get3A_3, %get3A_4] : memref<256x1024xf32, #tpu.memory_space<vmem>>, vector<256x1024xf32>
      %get3A_6 = arith.constant 0 : index
      %get3A_7 = arith.constant 0 : index
      %get3A_8 = arith.constant 0 : index
      %get3A_9 = vector.load %arg3[%get3A_6, %get3A_7, %get3A_8] : memref<1x2048x1024xf32, #tpu.memory_space<vmem>>, vector<1x2048x1024xf32>
      %get3A_10 = vector.shape_cast %get3A_9 : vector<1x2048x1024xf32> to vector<2048x1024xf32>
      %dot_general3A = arith.constant dense<0.000000e+00> : vector<256x2048xf32>
      %dot_general3A_11 = tpu.matmul %get3A_5, %get3A_10, %dot_general3A {dimension_numbers = #tpu.dot_dimension_numbers<[1], [1], [0], [0], [0, 0, 1, 0], [], []>, transpose_lhs_hint = false} : vector<256x1024xf32>, vector<2048x1024xf32>, vector<256x2048xf32> -> vector<256x2048xf32>
      %get3A_12 = arith.constant 0 : index
      %get3A_13 = arith.constant 0 : index
      %get3A_14 = arith.constant 0 : index
      %get3A_15 = vector.load %arg5[%get3A_12, %get3A_13, %get3A_14] : memref<1x2048x1024xf32, #tpu.memory_space<vmem>>, vector<1x2048x1024xf32>
      %get3A_16 = vector.shape_cast %get3A_15 : vector<1x2048x1024xf32> to vector<2048x1024xf32>
      %dot_general3A_17 = arith.constant dense<0.000000e+00> : vector<256x2048xf32>
      %dot_general3A_18 = tpu.matmul %get3A_5, %get3A_16, %dot_general3A_17 {dimension_numbers = #tpu.dot_dimension_numbers<[1], [1], [0], [0], [0, 0, 1, 0], [], []>, transpose_lhs_hint = false} : vector<256x1024xf32>, vector<2048x1024xf32>, vector<256x2048xf32> -> vector<256x2048xf32>
      %logistic3A = arith.negf %dot_general3A_11 : vector<256x2048xf32>
      %logistic3A_19 = math.exp %logistic3A : vector<256x2048xf32>
      %logistic3A_20 = arith.constant 1.000000e+00 : f32
      %logistic3A_21 = vector.broadcast %logistic3A_20 : f32 to vector<256x2048xf32>
      %logistic3A_22 = arith.addf %logistic3A_21, %logistic3A_19 : vector<256x2048xf32>
      %logistic3A_23 = arith.divf %logistic3A_21, %logistic3A_22 : vector<256x2048xf32>
      %mul3A = arith.mulf %dot_general3A_11, %logistic3A_23 : vector<256x2048xf32>
      %mul3A_24 = arith.mulf %mul3A, %dot_general3A_18 : vector<256x2048xf32>
      %get3A_25 = arith.constant 0 : index
      %get3A_26 = arith.constant 0 : index
      %get3A_27 = arith.constant 0 : index
      %get3A_28 = vector.load %arg4[%get3A_25, %get3A_26, %get3A_27] : memref<1x1024x2048xf32, #tpu.memory_space<vmem>>, vector<1x1024x2048xf32>
      %get3A_29 = vector.shape_cast %get3A_28 : vector<1x1024x2048xf32> to vector<1024x2048xf32>
      %dot_general3A_30 = arith.constant dense<0.000000e+00> : vector<256x1024xf32>
      %dot_general3A_31 = tpu.matmul %mul3A_24, %get3A_29, %dot_general3A_30 {dimension_numbers = #tpu.dot_dimension_numbers<[1], [1], [0], [0], [0, 0, 1, 0], [], []>, transpose_lhs_hint = false} : vector<256x2048xf32>, vector<1024x2048xf32>, vector<256x1024xf32> -> vector<256x1024xf32>
      %get3A_32 = arith.constant 0 : index
      %get3A_33 = arith.constant 0 : index
      %get3A_34 = vector.load %arg6[%get3A_32, %get3A_33] : memref<256x8xf32, #tpu.memory_space<vmem>>, vector<256x1xf32>
      %mul3A_35 = vector.broadcast %get3A_34 : vector<256x1xf32> to vector<256x1024xf32>
      %mul3A_36 = arith.mulf %dot_general3A_31, %mul3A_35 : vector<256x1024xf32>
      %swap3A = arith.constant 0 : index
      %swap3A_37 = arith.constant 0 : index
      %swap3A_38 = vector.load %arg7[%swap3A, %swap3A_37] : memref<256x1024xf32, #tpu.memory_space<vmem>>, vector<256x1024xf32>
      tpu.vector_store %arg7[%swap3A, %swap3A_37], %mul3A_36 {strides = array<i32>} : memref<256x1024xf32, #tpu.memory_space<vmem>>, vector<256x1024xf32>,
    } else {
    }
    return
  }
  func.func @transform_0(%arg0: i32, %arg1: memref<24xi32, #tpu.memory_space<smem>>) -> (i32, i32) {
    %c0_i32 = arith.constant 0 : i32
    %c0_i32_0 = arith.constant 0 : i32
    return %arg0, %c0_i32 : i32, i32
  }
  func.func @transform_1(%arg0: i32, %arg1: memref<24xi32, #tpu.memory_space<smem>>) -> (i32, i32, i32) {
    %get3A = arith.index_cast %arg0 : i32 to index
    %get3A_0 = memref.load %arg1[%get3A] : memref<24xi32, #tpu.memory_space<smem>>
    %max3A = arith.constant 0 : i32
    %max3A_1 = arith.maxsi %get3A_0, %max3A : i32
    %c0_i32 = arith.constant 0 : i32
    %c0_i32_2 = arith.constant 0 : i32
    %c0_i32_3 = arith.constant 0 : i32
    return %max3A_1, %c0_i32, %c0_i32_2 : i32, i32, i32
  }
  func.func @transform_2(%arg0: i32, %arg1: memref<24xi32, #tpu.memory_space<smem>>) -> (i32, i32, i32) {
    %get3A = arith.index_cast %arg0 : i32 to index
    %get3A_0 = memref.load %arg1[%get3A] : memref<24xi32, #tpu.memory_space<smem>>
    %max3A = arith.constant 0 : i32
    %max3A_1 = arith.maxsi %get3A_0, %max3A : i32
    %c0_i32 = arith.constant 0 : i32
    %c0_i32_2 = arith.constant 0 : i32
    %c0_i32_3 = arith.constant 0 : i32
    return %max3A_1, %c0_i32, %c0_i32_2 : i32, i32, i32
  }
  func.func @transform_3(%arg0: i32, %arg1: memref<24xi32, #tpu.memory_space<smem>>) -> (i32, i32, i32) {
    %get3A = arith.index_cast %arg0 : i32 to index
    %get3A_0 = memref.load %arg1[%get3A] : memref<24xi32, #tpu.memory_space<smem>>
    %max3A = arith.constant 0 : i32
    %max3A_1 = arith.maxsi %get3A_0, %max3A : i32
    %c0_i32 = arith.constant 0 : i32
    %c0_i32_2 = arith.constant 0 : i32
    %c0_i32_3 = arith.constant 0 : i32
    return %max3A_1, %c0_i32, %c0_i32_2 : i32, i32, i32
  }
  func.func @transform_4(%arg0: i32, %arg1: memref<24xi32, #tpu.memory_space<smem>>) -> (i32, i32) {
    %c0_i32 = arith.constant 0 : i32
    %c0_i32_0 = arith.constant 0 : i32
    return %arg0, %c0_i32 : i32, i32
  }
  func.func @transform_5(%arg0: i32, %arg1: memref<24xi32, #tpu.memory_space<smem>>) -> (i32, i32) {
    %c0_i32 = arith.constant 0 : i32
    %c0_i32_0 = arith.constant 0 : i32
    return %arg0, %c0_i32 : i32, i32
  }
}

module attributes {stable_mosaic.version = 14 : i64} {
  func.func @_combine_body(%arg0: i32, %arg1: memref<4096xi32, #tpu.memory_space<smem>>, %arg2: memref<6144x1024xf32, #tpu.memory_space<vmem>>, %arg3: memref<256x1024xf32, #tpu.memory_space<vmem>>, %arg4: memref<256x1024xf32, #tpu.memory_space<vmem>>) attributes {dimension_semantics = [#tpu.dimension_semantics<arbitrary>], iteration_bounds = array<i64: 8>, scalar_prefetch = 1 : i64, scratch_operands = 0 : i64, tpu.core_type = #tpu.core_type<tc>, window_params = [{pipeline_mode = #tpu.pipeline_mode<synchronous>, transform_indices = @transform_0, window_bounds = array<i64: 6144, 1024>}, {transform_indices = @transform_1, window_bounds = array<i64: 256, 1024>}, {transform_indices = @transform_2, window_bounds = array<i64: 256, 1024>}]} {
    %scan3A = arith.constant 0 : i32
    %scan3A_0 = arith.constant 256 : i32
    %scan3A_1 = arith.addi %scan3A, %scan3A_0 : i32
    %scan3A_2 = arith.constant 8 : i32
    scf.for %scan3A_4 = %scan3A to %scan3A_1 step %scan3A_2  : i32 {
      %mul3A = arith.constant 256 : i32
      %mul3A_5 = arith.muli %arg0, %mul3A : i32
      %add3A = arith.addi %mul3A_5, %scan3A_4 : i32
      %get3A = arith.index_cast %add3A : i32 to index
      %get3A_6 = memref.load %arg1[%get3A] : memref<4096xi32, #tpu.memory_space<smem>>
      %add3A_7 = arith.constant 2048 : i32
      %add3A_8 = arith.addi %add3A_7, %add3A : i32
      %get3A_9 = arith.index_cast %add3A_8 : i32 to index
      %get3A_10 = memref.load %arg1[%get3A_9] : memref<4096xi32, #tpu.memory_space<smem>>
      %get3A_11 = arith.index_cast %scan3A_4 : i32 to index
      %get3A_12 = arith.constant 0 : index
      %get3A_13 = vector.load %arg3[%get3A_11, %get3A_12] : memref<256x1024xf32, #tpu.memory_space<vmem>>, vector<1x1024xf32>
      %get3A_14 = vector.shape_cast %get3A_13 : vector<1x1024xf32> to vector<1024xf32>
      %get3A_15 = arith.index_cast %get3A_6 : i32 to index
      %get3A_16 = arith.constant 0 : index
      %get3A_17 = vector.load %arg2[%get3A_15, %get3A_16] : memref<6144x1024xf32, #tpu.memory_space<vmem>>, vector<1x1024xf32>
      %get3A_18 = vector.shape_cast %get3A_17 : vector<1x1024xf32> to vector<1024xf32>
      %add3A_19 = arith.addf %get3A_14, %get3A_18 : vector<1024xf32>
      %get3A_20 = arith.index_cast %get3A_10 : i32 to index
      %get3A_21 = arith.constant 0 : index
      %get3A_22 = vector.load %arg2[%get3A_20, %get3A_21] : memref<6144x1024xf32, #tpu.memory_space<vmem>>, vector<1x1024xf32>
      %get3A_23 = vector.shape_cast %get3A_22 : vector<1x1024xf32> to vector<1024xf32>
      %add3A_24 = arith.addf %add3A_19, %get3A_23 : vector<1024xf32>
      %swap3A = arith.index_cast %scan3A_4 : i32 to index
      %swap3A_25 = arith.constant 0 : index
      %swap3A_26 = vector.load %arg4[%swap3A, %swap3A_25] : memref<256x1024xf32, #tpu.memory_space<vmem>>, vector<1x1024xf32>
      %swap3A_27 = vector.shape_cast %swap3A_26 : vector<1x1024xf32> to vector<1024xf32>
      %swap3A_28 = vector.shape_cast %add3A_24 : vector<1024xf32> to vector<1x1024xf32>
      tpu.vector_store %arg4[%swap3A, %swap3A_25], %swap3A_28 {strides = array<i32>} : memref<256x1024xf32, #tpu.memory_space<vmem>>, vector<1x1024xf32>,
      %scan3A_29 = arith.constant 1 : i32
      %scan3A_30 = arith.addi %scan3A_4, %scan3A_29 : i32
      %mul3A_31 = arith.constant 256 : i32
      %mul3A_32 = arith.muli %arg0, %mul3A_31 : i32
      %add3A_33 = arith.addi %mul3A_32, %scan3A_30 : i32
      %get3A_34 = arith.index_cast %add3A_33 : i32 to index
      %get3A_35 = memref.load %arg1[%get3A_34] : memref<4096xi32, #tpu.memory_space<smem>>
      %add3A_36 = arith.constant 2048 : i32
      %add3A_37 = arith.addi %add3A_36, %add3A_33 : i32
      %get3A_38 = arith.index_cast %add3A_37 : i32 to index
      %get3A_39 = memref.load %arg1[%get3A_38] : memref<4096xi32, #tpu.memory_space<smem>>
      %get3A_40 = arith.index_cast %scan3A_30 : i32 to index
      %get3A_41 = arith.constant 0 : index
      %get3A_42 = vector.load %arg3[%get3A_40, %get3A_41] : memref<256x1024xf32, #tpu.memory_space<vmem>>, vector<1x1024xf32>
      %get3A_43 = vector.shape_cast %get3A_42 : vector<1x1024xf32> to vector<1024xf32>
      %get3A_44 = arith.index_cast %get3A_35 : i32 to index
      %get3A_45 = arith.constant 0 : index
      %get3A_46 = vector.load %arg2[%get3A_44, %get3A_45] : memref<6144x1024xf32, #tpu.memory_space<vmem>>, vector<1x1024xf32>
      %get3A_47 = vector.shape_cast %get3A_46 : vector<1x1024xf32> to vector<1024xf32>
      %add3A_48 = arith.addf %get3A_43, %get3A_47 : vector<1024xf32>
      %get3A_49 = arith.index_cast %get3A_39 : i32 to index
      %get3A_50 = arith.constant 0 : index
      %get3A_51 = vector.load %arg2[%get3A_49, %get3A_50] : memref<6144x1024xf32, #tpu.memory_space<vmem>>, vector<1x1024xf32>
      %get3A_52 = vector.shape_cast %get3A_51 : vector<1x1024xf32> to vector<1024xf32>
      %add3A_53 = arith.addf %add3A_48, %get3A_52 : vector<1024xf32>
      %swap3A_54 = arith.index_cast %scan3A_30 : i32 to index
      %swap3A_55 = arith.constant 0 : index
      %swap3A_56 = vector.load %arg4[%swap3A_54, %swap3A_55] : memref<256x1024xf32, #tpu.memory_space<vmem>>, vector<1x1024xf32>
      %swap3A_57 = vector.shape_cast %swap3A_56 : vector<1x1024xf32> to vector<1024xf32>
      %swap3A_58 = vector.shape_cast %add3A_53 : vector<1024xf32> to vector<1x1024xf32>
      tpu.vector_store %arg4[%swap3A_54, %swap3A_55], %swap3A_58 {strides = array<i32>} : memref<256x1024xf32, #tpu.memory_space<vmem>>, vector<1x1024xf32>,
      %scan3A_59 = arith.constant 2 : i32
      %scan3A_60 = arith.addi %scan3A_4, %scan3A_59 : i32
      %mul3A_61 = arith.constant 256 : i32
      %mul3A_62 = arith.muli %arg0, %mul3A_61 : i32
      %add3A_63 = arith.addi %mul3A_62, %scan3A_60 : i32
      %get3A_64 = arith.index_cast %add3A_63 : i32 to index
      %get3A_65 = memref.load %arg1[%get3A_64] : memref<4096xi32, #tpu.memory_space<smem>>
      %add3A_66 = arith.constant 2048 : i32
      %add3A_67 = arith.addi %add3A_66, %add3A_63 : i32
      %get3A_68 = arith.index_cast %add3A_67 : i32 to index
      %get3A_69 = memref.load %arg1[%get3A_68] : memref<4096xi32, #tpu.memory_space<smem>>
      %get3A_70 = arith.index_cast %scan3A_60 : i32 to index
      %get3A_71 = arith.constant 0 : index
      %get3A_72 = vector.load %arg3[%get3A_70, %get3A_71] : memref<256x1024xf32, #tpu.memory_space<vmem>>, vector<1x1024xf32>
      %get3A_73 = vector.shape_cast %get3A_72 : vector<1x1024xf32> to vector<1024xf32>
      %get3A_74 = arith.index_cast %get3A_65 : i32 to index
      %get3A_75 = arith.constant 0 : index
      %get3A_76 = vector.load %arg2[%get3A_74, %get3A_75] : memref<6144x1024xf32, #tpu.memory_space<vmem>>, vector<1x1024xf32>
      %get3A_77 = vector.shape_cast %get3A_76 : vector<1x1024xf32> to vector<1024xf32>
      %add3A_78 = arith.addf %get3A_73, %get3A_77 : vector<1024xf32>
      %get3A_79 = arith.index_cast %get3A_69 : i32 to index
      %get3A_80 = arith.constant 0 : index
      %get3A_81 = vector.load %arg2[%get3A_79, %get3A_80] : memref<6144x1024xf32, #tpu.memory_space<vmem>>, vector<1x1024xf32>
      %get3A_82 = vector.shape_cast %get3A_81 : vector<1x1024xf32> to vector<1024xf32>
      %add3A_83 = arith.addf %add3A_78, %get3A_82 : vector<1024xf32>
      %swap3A_84 = arith.index_cast %scan3A_60 : i32 to index
      %swap3A_85 = arith.constant 0 : index
      %swap3A_86 = vector.load %arg4[%swap3A_84, %swap3A_85] : memref<256x1024xf32, #tpu.memory_space<vmem>>, vector<1x1024xf32>
      %swap3A_87 = vector.shape_cast %swap3A_86 : vector<1x1024xf32> to vector<1024xf32>
      %swap3A_88 = vector.shape_cast %add3A_83 : vector<1024xf32> to vector<1x1024xf32>
      tpu.vector_store %arg4[%swap3A_84, %swap3A_85], %swap3A_88 {strides = array<i32>} : memref<256x1024xf32, #tpu.memory_space<vmem>>, vector<1x1024xf32>,
      %scan3A_89 = arith.constant 3 : i32
      %scan3A_90 = arith.addi %scan3A_4, %scan3A_89 : i32
      %mul3A_91 = arith.constant 256 : i32
      %mul3A_92 = arith.muli %arg0, %mul3A_91 : i32
      %add3A_93 = arith.addi %mul3A_92, %scan3A_90 : i32
      %get3A_94 = arith.index_cast %add3A_93 : i32 to index
      %get3A_95 = memref.load %arg1[%get3A_94] : memref<4096xi32, #tpu.memory_space<smem>>
      %add3A_96 = arith.constant 2048 : i32
      %add3A_97 = arith.addi %add3A_96, %add3A_93 : i32
      %get3A_98 = arith.index_cast %add3A_97 : i32 to index
      %get3A_99 = memref.load %arg1[%get3A_98] : memref<4096xi32, #tpu.memory_space<smem>>
      %get3A_100 = arith.index_cast %scan3A_90 : i32 to index
      %get3A_101 = arith.constant 0 : index
      %get3A_102 = vector.load %arg3[%get3A_100, %get3A_101] : memref<256x1024xf32, #tpu.memory_space<vmem>>, vector<1x1024xf32>
      %get3A_103 = vector.shape_cast %get3A_102 : vector<1x1024xf32> to vector<1024xf32>
      %get3A_104 = arith.index_cast %get3A_95 : i32 to index
      %get3A_105 = arith.constant 0 : index
      %get3A_106 = vector.load %arg2[%get3A_104, %get3A_105] : memref<6144x1024xf32, #tpu.memory_space<vmem>>, vector<1x1024xf32>
      %get3A_107 = vector.shape_cast %get3A_106 : vector<1x1024xf32> to vector<1024xf32>
      %add3A_108 = arith.addf %get3A_103, %get3A_107 : vector<1024xf32>
      %get3A_109 = arith.index_cast %get3A_99 : i32 to index
      %get3A_110 = arith.constant 0 : index
      %get3A_111 = vector.load %arg2[%get3A_109, %get3A_110] : memref<6144x1024xf32, #tpu.memory_space<vmem>>, vector<1x1024xf32>
      %get3A_112 = vector.shape_cast %get3A_111 : vector<1x1024xf32> to vector<1024xf32>
      %add3A_113 = arith.addf %add3A_108, %get3A_112 : vector<1024xf32>
      %swap3A_114 = arith.index_cast %scan3A_90 : i32 to index
      %swap3A_115 = arith.constant 0 : index
      %swap3A_116 = vector.load %arg4[%swap3A_114, %swap3A_115] : memref<256x1024xf32, #tpu.memory_space<vmem>>, vector<1x1024xf32>
      %swap3A_117 = vector.shape_cast %swap3A_116 : vector<1x1024xf32> to vector<1024xf32>
      %swap3A_118 = vector.shape_cast %add3A_113 : vector<1024xf32> to vector<1x1024xf32>
      tpu.vector_store %arg4[%swap3A_114, %swap3A_115], %swap3A_118 {strides = array<i32>} : memref<256x1024xf32, #tpu.memory_space<vmem>>, vector<1x1024xf32>,
      %scan3A_119 = arith.constant 4 : i32
      %scan3A_120 = arith.addi %scan3A_4, %scan3A_119 : i32
      %mul3A_121 = arith.constant 256 : i32
      %mul3A_122 = arith.muli %arg0, %mul3A_121 : i32
      %add3A_123 = arith.addi %mul3A_122, %scan3A_120 : i32
      %get3A_124 = arith.index_cast %add3A_123 : i32 to index
      %get3A_125 = memref.load %arg1[%get3A_124] : memref<4096xi32, #tpu.memory_space<smem>>
      %add3A_126 = arith.constant 2048 : i32
      %add3A_127 = arith.addi %add3A_126, %add3A_123 : i32
      %get3A_128 = arith.index_cast %add3A_127 : i32 to index
      %get3A_129 = memref.load %arg1[%get3A_128] : memref<4096xi32, #tpu.memory_space<smem>>
      %get3A_130 = arith.index_cast %scan3A_120 : i32 to index
      %get3A_131 = arith.constant 0 : index
      %get3A_132 = vector.load %arg3[%get3A_130, %get3A_131] : memref<256x1024xf32, #tpu.memory_space<vmem>>, vector<1x1024xf32>
      %get3A_133 = vector.shape_cast %get3A_132 : vector<1x1024xf32> to vector<1024xf32>
      %get3A_134 = arith.index_cast %get3A_125 : i32 to index
      %get3A_135 = arith.constant 0 : index
      %get3A_136 = vector.load %arg2[%get3A_134, %get3A_135] : memref<6144x1024xf32, #tpu.memory_space<vmem>>, vector<1x1024xf32>
      %get3A_137 = vector.shape_cast %get3A_136 : vector<1x1024xf32> to vector<1024xf32>
      %add3A_138 = arith.addf %get3A_133, %get3A_137 : vector<1024xf32>
      %get3A_139 = arith.index_cast %get3A_129 : i32 to index
      %get3A_140 = arith.constant 0 : index
      %get3A_141 = vector.load %arg2[%get3A_139, %get3A_140] : memref<6144x1024xf32, #tpu.memory_space<vmem>>, vector<1x1024xf32>
      %get3A_142 = vector.shape_cast %get3A_141 : vector<1x1024xf32> to vector<1024xf32>
      %add3A_143 = arith.addf %add3A_138, %get3A_142 : vector<1024xf32>
      %swap3A_144 = arith.index_cast %scan3A_120 : i32 to index
      %swap3A_145 = arith.constant 0 : index
      %swap3A_146 = vector.load %arg4[%swap3A_144, %swap3A_145] : memref<256x1024xf32, #tpu.memory_space<vmem>>, vector<1x1024xf32>
      %swap3A_147 = vector.shape_cast %swap3A_146 : vector<1x1024xf32> to vector<1024xf32>
      %swap3A_148 = vector.shape_cast %add3A_143 : vector<1024xf32> to vector<1x1024xf32>
      tpu.vector_store %arg4[%swap3A_144, %swap3A_145], %swap3A_148 {strides = array<i32>} : memref<256x1024xf32, #tpu.memory_space<vmem>>, vector<1x1024xf32>,
      %scan3A_149 = arith.constant 5 : i32
      %scan3A_150 = arith.addi %scan3A_4, %scan3A_149 : i32
      %mul3A_151 = arith.constant 256 : i32
      %mul3A_152 = arith.muli %arg0, %mul3A_151 : i32
      %add3A_153 = arith.addi %mul3A_152, %scan3A_150 : i32
      %get3A_154 = arith.index_cast %add3A_153 : i32 to index
      %get3A_155 = memref.load %arg1[%get3A_154] : memref<4096xi32, #tpu.memory_space<smem>>
      %add3A_156 = arith.constant 2048 : i32
      %add3A_157 = arith.addi %add3A_156, %add3A_153 : i32
      %get3A_158 = arith.index_cast %add3A_157 : i32 to index
      %get3A_159 = memref.load %arg1[%get3A_158] : memref<4096xi32, #tpu.memory_space<smem>>
      %get3A_160 = arith.index_cast %scan3A_150 : i32 to index
      %get3A_161 = arith.constant 0 : index
      %get3A_162 = vector.load %arg3[%get3A_160, %get3A_161] : memref<256x1024xf32, #tpu.memory_space<vmem>>, vector<1x1024xf32>
      %get3A_163 = vector.shape_cast %get3A_162 : vector<1x1024xf32> to vector<1024xf32>
      %get3A_164 = arith.index_cast %get3A_155 : i32 to index
      %get3A_165 = arith.constant 0 : index
      %get3A_166 = vector.load %arg2[%get3A_164, %get3A_165] : memref<6144x1024xf32, #tpu.memory_space<vmem>>, vector<1x1024xf32>
      %get3A_167 = vector.shape_cast %get3A_166 : vector<1x1024xf32> to vector<1024xf32>
      %add3A_168 = arith.addf %get3A_163, %get3A_167 : vector<1024xf32>
      %get3A_169 = arith.index_cast %get3A_159 : i32 to index
      %get3A_170 = arith.constant 0 : index
      %get3A_171 = vector.load %arg2[%get3A_169, %get3A_170] : memref<6144x1024xf32, #tpu.memory_space<vmem>>, vector<1x1024xf32>
      %get3A_172 = vector.shape_cast %get3A_171 : vector<1x1024xf32> to vector<1024xf32>
      %add3A_173 = arith.addf %add3A_168, %get3A_172 : vector<1024xf32>
      %swap3A_174 = arith.index_cast %scan3A_150 : i32 to index
      %swap3A_175 = arith.constant 0 : index
      %swap3A_176 = vector.load %arg4[%swap3A_174, %swap3A_175] : memref<256x1024xf32, #tpu.memory_space<vmem>>, vector<1x1024xf32>
      %swap3A_177 = vector.shape_cast %swap3A_176 : vector<1x1024xf32> to vector<1024xf32>
      %swap3A_178 = vector.shape_cast %add3A_173 : vector<1024xf32> to vector<1x1024xf32>
      tpu.vector_store %arg4[%swap3A_174, %swap3A_175], %swap3A_178 {strides = array<i32>} : memref<256x1024xf32, #tpu.memory_space<vmem>>, vector<1x1024xf32>,
      %scan3A_179 = arith.constant 6 : i32
      %scan3A_180 = arith.addi %scan3A_4, %scan3A_179 : i32
      %mul3A_181 = arith.constant 256 : i32
      %mul3A_182 = arith.muli %arg0, %mul3A_181 : i32
      %add3A_183 = arith.addi %mul3A_182, %scan3A_180 : i32
      %get3A_184 = arith.index_cast %add3A_183 : i32 to index
      %get3A_185 = memref.load %arg1[%get3A_184] : memref<4096xi32, #tpu.memory_space<smem>>
      %add3A_186 = arith.constant 2048 : i32
      %add3A_187 = arith.addi %add3A_186, %add3A_183 : i32
      %get3A_188 = arith.index_cast %add3A_187 : i32 to index
      %get3A_189 = memref.load %arg1[%get3A_188] : memref<4096xi32, #tpu.memory_space<smem>>
      %get3A_190 = arith.index_cast %scan3A_180 : i32 to index
      %get3A_191 = arith.constant 0 : index
      %get3A_192 = vector.load %arg3[%get3A_190, %get3A_191] : memref<256x1024xf32, #tpu.memory_space<vmem>>, vector<1x1024xf32>
      %get3A_193 = vector.shape_cast %get3A_192 : vector<1x1024xf32> to vector<1024xf32>
      %get3A_194 = arith.index_cast %get3A_185 : i32 to index
      %get3A_195 = arith.constant 0 : index
      %get3A_196 = vector.load %arg2[%get3A_194, %get3A_195] : memref<6144x1024xf32, #tpu.memory_space<vmem>>, vector<1x1024xf32>
      %get3A_197 = vector.shape_cast %get3A_196 : vector<1x1024xf32> to vector<1024xf32>
      %add3A_198 = arith.addf %get3A_193, %get3A_197 : vector<1024xf32>
      %get3A_199 = arith.index_cast %get3A_189 : i32 to index
      %get3A_200 = arith.constant 0 : index
      %get3A_201 = vector.load %arg2[%get3A_199, %get3A_200] : memref<6144x1024xf32, #tpu.memory_space<vmem>>, vector<1x1024xf32>
      %get3A_202 = vector.shape_cast %get3A_201 : vector<1x1024xf32> to vector<1024xf32>
      %add3A_203 = arith.addf %add3A_198, %get3A_202 : vector<1024xf32>
      %swap3A_204 = arith.index_cast %scan3A_180 : i32 to index
      %swap3A_205 = arith.constant 0 : index
      %swap3A_206 = vector.load %arg4[%swap3A_204, %swap3A_205] : memref<256x1024xf32, #tpu.memory_space<vmem>>, vector<1x1024xf32>
      %swap3A_207 = vector.shape_cast %swap3A_206 : vector<1x1024xf32> to vector<1024xf32>
      %swap3A_208 = vector.shape_cast %add3A_203 : vector<1024xf32> to vector<1x1024xf32>
      tpu.vector_store %arg4[%swap3A_204, %swap3A_205], %swap3A_208 {strides = array<i32>} : memref<256x1024xf32, #tpu.memory_space<vmem>>, vector<1x1024xf32>,
      %scan3A_209 = arith.constant 7 : i32
      %scan3A_210 = arith.addi %scan3A_4, %scan3A_209 : i32
      %mul3A_211 = arith.constant 256 : i32
      %mul3A_212 = arith.muli %arg0, %mul3A_211 : i32
      %add3A_213 = arith.addi %mul3A_212, %scan3A_210 : i32
      %get3A_214 = arith.index_cast %add3A_213 : i32 to index
      %get3A_215 = memref.load %arg1[%get3A_214] : memref<4096xi32, #tpu.memory_space<smem>>
      %add3A_216 = arith.constant 2048 : i32
      %add3A_217 = arith.addi %add3A_216, %add3A_213 : i32
      %get3A_218 = arith.index_cast %add3A_217 : i32 to index
      %get3A_219 = memref.load %arg1[%get3A_218] : memref<4096xi32, #tpu.memory_space<smem>>
      %get3A_220 = arith.index_cast %scan3A_210 : i32 to index
      %get3A_221 = arith.constant 0 : index
      %get3A_222 = vector.load %arg3[%get3A_220, %get3A_221] : memref<256x1024xf32, #tpu.memory_space<vmem>>, vector<1x1024xf32>
      %get3A_223 = vector.shape_cast %get3A_222 : vector<1x1024xf32> to vector<1024xf32>
      %get3A_224 = arith.index_cast %get3A_215 : i32 to index
      %get3A_225 = arith.constant 0 : index
      %get3A_226 = vector.load %arg2[%get3A_224, %get3A_225] : memref<6144x1024xf32, #tpu.memory_space<vmem>>, vector<1x1024xf32>
      %get3A_227 = vector.shape_cast %get3A_226 : vector<1x1024xf32> to vector<1024xf32>
      %add3A_228 = arith.addf %get3A_223, %get3A_227 : vector<1024xf32>
      %get3A_229 = arith.index_cast %get3A_219 : i32 to index
      %get3A_230 = arith.constant 0 : index
      %get3A_231 = vector.load %arg2[%get3A_229, %get3A_230] : memref<6144x1024xf32, #tpu.memory_space<vmem>>, vector<1x1024xf32>
      %get3A_232 = vector.shape_cast %get3A_231 : vector<1x1024xf32> to vector<1024xf32>
      %add3A_233 = arith.addf %add3A_228, %get3A_232 : vector<1024xf32>
      %swap3A_234 = arith.index_cast %scan3A_210 : i32 to index
      %swap3A_235 = arith.constant 0 : index
      %swap3A_236 = vector.load %arg4[%swap3A_234, %swap3A_235] : memref<256x1024xf32, #tpu.memory_space<vmem>>, vector<1x1024xf32>
      %swap3A_237 = vector.shape_cast %swap3A_236 : vector<1x1024xf32> to vector<1024xf32>
      %swap3A_238 = vector.shape_cast %add3A_233 : vector<1024xf32> to vector<1x1024xf32>
      tpu.vector_store %arg4[%swap3A_234, %swap3A_235], %swap3A_238 {strides = array<i32>} : memref<256x1024xf32, #tpu.memory_space<vmem>>, vector<1x1024xf32>,
    }
    %scan3A_3 = arith.constant 256 : i32
    return
  }
  func.func @transform_0(%arg0: i32, %arg1: memref<4096xi32, #tpu.memory_space<smem>>) -> (i32, i32) {
    %c0_i32 = arith.constant 0 : i32
    %c0_i32_0 = arith.constant 0 : i32
    %c0_i32_1 = arith.constant 0 : i32
    return %c0_i32, %c0_i32_0 : i32, i32
  }
  func.func @transform_1(%arg0: i32, %arg1: memref<4096xi32, #tpu.memory_space<smem>>) -> (i32, i32) {
    %c0_i32 = arith.constant 0 : i32
    %c0_i32_0 = arith.constant 0 : i32
    return %arg0, %c0_i32 : i32, i32
  }
  func.func @transform_2(%arg0: i32, %arg1: memref<4096xi32, #tpu.memory_space<smem>>) -> (i32, i32) {
    %c0_i32 = arith.constant 0 : i32
    %c0_i32_0 = arith.constant 0 : i32
    return %arg0, %c0_i32 : i32, i32
  }
}

</mosaic_0001>

<sc_bundles>
// kernel: gather_offload_async_start.1
scs
__scs_entry_jumppad:
0x0: {  	(pc) =	sbr.rel $0x88, $3  }
0x1: {  	(tag) =	ssettag $0x0;
	lr =	simm.s32 $0x1  }
0x2: {  	[smem:$0x3F8E] =	sst lr;
	_ =	strace $0xD0000000  }
0x3: {  	_ = 	snop  }
0x4: {  	_ = 	snop  }
0x5: {  	_ = 	snop  }
0x6: {  	_ = 	snop  }
0x7: {  	_ = 	snop  }
__scs_overlays_trampoline_lowered:
0x8: {  	[smem:$0x3F9D] =	sst s0  }
0x9: {  	[smem:$0x3F9E] =	sst s1  }
0xa: {  	[smem:$0x3F9F] =	sst s2  }
0xb: {  	[smem:$0x3FA0] =	sst s3  }
0xc: {  	[smem:$0x3FA1] =	sst s4  }
0xd: {  	[smem:$0x3FA2] =	sst s5  }
0xe: {  	[smem:$0x3FA3] =	sst s6  }
0xf: {  	[smem:$0x3FA4] =	sst s7  }
0x10: {  	[smem:$0x3FA5] =	sst s8  }
0x11: {  	[smem:$0x3FA6] =	sst s9;
	s0 =	simm.s32 @!p0 $0x0  }
0x12: {  	s1 =	sld [smem:$0x3F8C];
	s0 =	simm.s32 @p0 $0x1  }
0x13: {  	[smem:$0x3FA7] =	sst s0;
	s0 =	simm.s32 @!p1 $0x0  }
0x14: {  	s2 =	sld [smem:$0x3F8B];
	s0 =	simm.s32 @p1 $0x1  }
0x15: {  	[smem:$0x3FA8] =	sst s0;
	s0 =	simm.s32 @!p2 $0x0  }
0x16: {  	s3 =	sld [smem:$0x3FDB];
	s0 =	simm.s32 @p2 $0x1  }
0x17: {  	s4 =	simm.s32 $0x1BF5;
	[smem:$0x3FAA] =	sst s0  }
0x18: {  	s0 =	sld [smem:$0x3F8D];
	_ =	swait.ge [sflag:s4], $0x0  }
0x19: {  	s7 =	sld [smem:$0x3F8E]  }
0x1a: {  	s8 =	sadd.s32 $0xFFFFE003, lr  }
0x1b: {  	s9 =	sadd.s32 $0xFFFFFEF7, lr;
	s5 =	simm.s32 $0xFFFFFFFF;
	p2 =	slt.u32 s8, $0xFFFFF086  }
0x1c: {  	p1 =	slt.u32 s9, $0xF7A;
	s5 =	simm.s32 @!p2 $0x0  }
0x1d: {  	s5 =	simm.s32 @p1 $0x1;
	p0 =	seq.s32 s7, s2  }
0x1e: {  	s7 =	smul.u32 @!p0 $0xF7A, s2;
	p2 =	seq.s32 @!p0 s5, $0x0  }
0x1f: {  	s9 =	smul.u32 $0xF7A, s1;
	s8 =	simm.s32 @!p0 $0x1BF5;
	p2 =	por !p2, p0  }
0x20: {  	[sflag:s8] =	ssyncset.s32 @!p0 $0xFFFFF086;
	s6 =	sadd.s32 @!p0 s3, s7;
	s7 =	simm.s32 @!p0 $0x108  }
0x21: {  	s3 =	sadd.s32 s3, s9;
	s6 =	sadd.s32 @!p0 $0x88, s6;
	s7 =	simm.s32 @p2 $0x1082  }
0x22: {  	[simem:s7], [sflag:s8] =	dma.local @!p0 [hbm:s6], $0xF7A  }
0x23: {  	s9 =	sor.u32 $0xD0000000, s2;
	s6 =	simm.s32 $0x108;
	_ =	swait.ge @!p0 [sflag:s8], $0x0  }
0x24: {  	s3 =	sadd.s32 $0x88, s3;
	s6 =	simm.s32 @!p1 $0x1082;
	[sflag:s4] =	ssyncset.s32 $0xFFFFF086  }
0x25: {  	[simem:s6], [sflag:s4] =	dma.local [hbm:s3], $0xF7A  }
0x26: {  	[smem:$0x3F8E] =	sst s1;
	(tag) =	ssettag s2;
	_ =	strace s9  }
0x27: {  	s1 =	sld [smem:$0x3F9E]  }
0x28: {  	s2 =	sld [smem:$0x3F9F]  }
0x29: {  	s4 =	sld [smem:$0x3FA1]  }
0x2a: {  	p0 =	seq.s32 s5, $0x0;
	s5 =	sld [smem:$0x3FA2]  }
0x2b: {  	s6 =	sld [smem:$0x3FA3]  }
0x2c: {  	s7 =	sld [smem:$0x3FA4]  }
0x2d: {  	s3 =	simm.s32 $0x108;
	s8 =	sld [smem:$0x3FA5]  }
0x2e: {  	s3 =	simm.s32 @!p0 $0x1082;
	s9 =	sld [smem:$0x3FA6]  }
0x2f: {  	lr =	sadd.s32 s0, s3;
	s0 =	sld [smem:$0x3F9D]  }
0x30: {  	s3 =	sld [smem:$0x3FA0]  }
0x31: {  	[smem:$0x3FA9] =	sst s10  }
0x32: {  	s10 =	sld [smem:$0x3FA7];
	_ =	sdelay $0x3  }
0x33: {  	p0 =	seq.s32 s10, $0x1;
	s10 =	sld [smem:$0x3FA9];
	_ =	sdelay $0x3  }
0x34: {  	[smem:$0x3FA9] =	sst s10  }
0x35: {  	s10 =	sld [smem:$0x3FA8];
	_ =	sdelay $0x3  }
0x36: {  	p1 =	seq.s32 s10, $0x1;
	s10 =	sld [smem:$0x3FA9];
	_ =	sdelay $0x3  }
0x37: {  	[smem:$0x3FA9] =	sst s10  }
0x38: {  	s10 =	sld [smem:$0x3FAA]  }
0x39: {  	_ = 	snop;
	(pc) =	sbr.ind lr, $3  }
0x3a: {  	_ = 	snop  }
0x3b: {  	_ = 	snop  }
0x3c: {  	p2 =	seq.s32 s10, $0x1;
	s10 =	sld [smem:$0x3FA9]  }
0x3d: {  	_ =	shalt  }
0x3e: {  	_ =	shalt  }
0x3f: {  	_ =	shalt  }
0x40: {  	_ =	shalt  }
0x41: {  	_ =	shalt  }
0x42: {  	_ =	shalt  }
0x43: {  	_ =	shalt  }
0x44: {  	_ =	shalt  }
0x45: {  	_ =	shalt  }
0x46: {  	_ =	shalt  }
0x47: {  	_ =	shalt  }
0x48: {  	_ =	shalt  }
0x49: {  	_ =	shalt  }
0x4a: {  	_ =	shalt  }
0x4b: {  	_ =	shalt  }
0x4c: {  	_ =	shalt  }
0x4d: {  	_ =	shalt  }
0x4e: {  	_ =	shalt  }
0x4f: {  	_ =	shalt  }
0x50: {  	_ =	shalt  }
0x51: {  	_ =	shalt  }
0x52: {  	_ =	shalt  }
0x53: {  	_ =	shalt  }
0x54: {  	_ =	shalt  }
0x55: {  	_ =	shalt  }
0x56: {  	_ =	shalt  }
0x57: {  	_ =	shalt  }
0x58: {  	_ =	shalt  }
0x59: {  	_ =	shalt  }
0x5a: {  	_ =	shalt  }
0x5b: {  	_ =	shalt  }
0x5c: {  	_ =	shalt  }
0x5d: {  	_ =	shalt  }
0x5e: {  	_ =	shalt  }
0x5f: {  	_ =	shalt  }
0x60: {  	_ =	shalt  }
0x61: {  	_ =	shalt  }
0x62: {  	_ =	shalt  }
0x63: {  	_ =	shalt  }
0x64: {  	_ =	shalt  }
0x65: {  	_ =	shalt  }
0x66: {  	_ =	shalt  }
0x67: {  	_ =	shalt  }
0x68: {  	_ =	shalt  }
0x69: {  	_ =	shalt  }
0x6a: {  	_ =	shalt  }
0x6b: {  	_ =	shalt  }
0x6c: {  	_ =	shalt  }
0x6d: {  	_ =	shalt  }
0x6e: {  	_ =	shalt  }
0x6f: {  	_ =	shalt  }
0x70: {  	_ =	shalt  }
0x71: {  	_ =	shalt  }
0x72: {  	_ =	shalt  }
0x73: {  	_ =	shalt  }
0x74: {  	_ =	shalt  }
0x75: {  	_ =	shalt  }
0x76: {  	_ =	shalt  }
0x77: {  	_ =	shalt  }
0x78: {  	_ =	shalt  }
0x79: {  	_ =	shalt  }
0x7a: {  	_ =	shalt  }
0x7b: {  	_ =	shalt  }
0x7c: {  	_ =	shalt  }
0x7d: {  	_ =	shalt  }
0x7e: {  	_ =	shalt  }
0x7f: {  	_ =	shalt  }
0x80: {  	_ =	shalt  }
0x81: {  	_ =	shalt  }
0x82: {  	_ =	shalt  }
0x83: {  	_ =	shalt  }
0x84: {  	_ =	shalt  }
0x85: {  	_ =	shalt  }
0x86: {  	_ =	shalt  }
0x87: {  	_ =	shalt  }
.Lfunc_end0:
.L_simem_size_0:
called_computation.1_lowered:
.L_overlay_start_0:
0x88: {  	s2 =	sld [smem:$0x3FD9]  }
0x89: {  	s3 =	sld [smem:$0x3FFE];
	_ =	sdelay $0x1  }
0x8a: {  	s1 =	srdreg.scid  }
0x8b: {  	s0 =	sand.u32 $0x1, s1  }
0x8c: {  	s14 =	sshll.u32 s0, $0xA;
	s2 =	sadd.s32 s3, s2  }
0x8d: {  	s2 =	sadd.s32 s2, s14  }
0x8e: {  	[smem:$0x3FB5] =	sst s2  }
0x8f: {  	_ = 	snop  }
0x90: {  	s2 =	sld [smem:$0x3FD0];
	_ =	sdelay $0x2  }
0x91: {  	s15 =	simm.s32 $0xA;
	s4 =	simm.s32 $0x10  }
0x92: {  	[smem:s4], [sflag:s15] =	dma.local [hbm:s2], $0x1  }
0x93: {  	_ =	swait.eq [sflag:s15], $0x1  }
0x94: {  	[sflag:s15] =	ssyncset.done $0x0  }
0x95: {  	s16 =	sld [smem:$0x10];
	[sflag:s15] =	ssyncadd.s32 $0xFFFFFFFF  }
0x96: {  	s17 =	sld [smem:$0x11];
	(tm) =	ssettm $0x1  }
0x97: {  	s18 =	sld [smem:$0x3FFB];
	_ =	sdelay $0x3  }
0x98: {  	_ =	strace s18  }
0x99: {  	s4 =	sld [smem:$0x3FFC];
	_ =	sdelay $0x3  }
0x9a: {  	_ =	strace s4  }
0x9b: {  	s4 =	sld [smem:$0x3FFD];
	_ =	sdelay $0x3  }
0x9c: {  	_ =	strace s4  }
0x9d: {  	_ =	strace $0x8FFFFFFF  }
0x9e: {  	s19 =	sld [smem:$0x3FDB];
	_ =	sdelay $0x1  }
0x9f: {  	s5 =	simm.s32 $_scs_section_size  }
0xa0: {  	s6 =	simm.s32 $_size__tile_overlayer_lowered;
	s7 =	simm.s32 $_tile_overlayer_lowered  }
0xa1: {  	s22 =	simm.s32 $0x1BFF;
	s21 =	sshll.u32 s7, $0x1;
	s4 =	sadd.s32 s5, s19  }
0xa2: {  	s8 =	simm.s32 $0x0;
	s20 =	sshll.u32 s6, $0x1;
	s6 =	sadd.s32 s21, s4  }
0xa3: {  	[timem:s8], [sflag:s22] =	dma.local [hbm:s6], s20  }
0xa4: {  	_ =	swait.ge [sflag:s22], s20  }
0xa5: {  	s5 =	ssub.s32 $0x0, s20;
	[sflag:s22] =	ssyncset.done $0x0  }
0xa6: {  	[sflag:s22] =	ssyncadd.s32 s5;
	_ =	sdelay $0x1  }
0xa7: {  	s23 =	simm.s32 $0x1B8B  }
0xa8: {  	_ =	swait.ge [sflag:s23], $0x1  }
0xa9: {  	[sflag:s23] =	ssyncset.done $0x0  }
0xaa: {  	s25 =	simm.s32 $0x1B8E;
	s24 =	sld [smem:$0x3FFE];
	[sflag:s23] =	ssyncadd.s32 $0xFFFFFFFF  }
0xab: {  	s26 =	simm.s32 $execute0_lowered;
	[smem:$0x3FD2] =	sst s25  }
0xac: {  	s6 =	sshll.u32 s26, $0x1;
	_ =	strace $0x80000049;
	[dreg:$0x1] =	wrdreg $0xFFFFFFFF  }
0xad: {  	s28 =	simm.s32 $_size_execute0_lowered;
	s4 =	sadd.s32 s4, s6;
	[dreg:$0x0] =	wrdreg $0x0  }
0xae: {  	s6 =	sshll.u32 s28, $0x1;
	[dreg:$0x2] =	wrdreg s4  }
0xaf: {  	[dreg:$0x3] =	wrdreg s6  }
0xb0: {  	[dreg:$0x4] =	wrdreg $0xC0  }
0xb1: {  	_ =	task [dreg:s8], $0x5FFFF  }
0xb2: {  	[dreg:$0x1] =	wrdreg $0xFFFFFFFF  }
0xb3: {  	[dreg:$0x0] =	wrdreg $0x60  }
0xb4: {  	[dreg:$0x2] =	wrdreg s24  }
0xb5: {  	[dreg:$0x3] =	wrdreg s17  }
0xb6: {  	[dreg:$0x4] =	wrdreg s16  }
0xb7: {  	[dreg:$0x5] =	wrdreg $0x9  }
0xb8: {  	_ =	task.clear_ibuf [dreg:s8], $0x6FFFF;
	_ =	strace $0x90000049  }
0xb9: {  	s29 =	simm.s32 $0x9;
	_ =	strace $0x8000004B  }
0xba: {  	_ =	swait.ge [sflag:s29], $0x1  }
0xbb: {  	[sflag:s29] =	ssyncadd.s32 $0xFFFFFFFF  }
0xbc: {  	_ =	strace $0x9000004B  }
0xbd: {  	_ =	sfence  }
0xbe: {  	s30 =	sld [smem:$0x0];
	_ =	sdelay $0x2  }
0xbf: {  	s31 =	sshll.u32 s1, $0xD;
	s1 =	sshrl.u32 s1, $0x2  }
0xc0: {  	s3 =	sand.u32 $0x4000, s31;
	s1 =	sadd.s32 s1, s30  }
0xc1: {  	s0 =	sor.u32 s3, s0;
	s1 =	sshll.u32 s1, $0x11  }
0xc2: {  	s0 =	sor.u32 s1, s0  }
0xc3: {  	s0 =	sadd.s32 $0x8F2B, s0  }
0xc4: {  	[sflag:s0] =	ssyncadd.remote.s32 $0x1  }
0xc5: {  	_ =	sfence.sel $0xFFFF  }
0xc6: {  	[dreg:$0x0] =	wrdreg $0xFFFFFFFF;
	(pc) =	sbr.abs _section_cstart, $3  }
0xc7: {  	[dreg:$0x1] =	wrdreg $0xFFFFFFFF  }
0xc8: {  	_ =	task.clear_ibuf [dreg:s8], $0x2FFFF;
	_ =	strace $0x9FFFFFFF  }
0xc9: {  	(tm) =	ssettm $0x7FFFFFFF  }
tec
execute0_lowered:
.L_overlay_start_1:
0x0: {  	(tag) =	ssettag $0x1  }
0x1: {  	s5 =	rddreg [dreg:$0x0]  }
0x2: {  	s1 =	srdreg.scid;
	s2 =	rddreg [dreg:$0x1]  }
0x3: {  	s0 =	stileid.u32;
	s3 =	rddreg [dreg:$0x2]  }
0x4: {  	s9 =	simm.s32 $0x1;
	s10 =	simm.s32 $0x3;
	s1 =	sshll.u32 s1, $0x7  }
0x5: {  	s13 =	simm.s32 $0x0;
	s4 =	sshll.u32 s0, $0x8;
	s6 =	sand.u32 $0x80, s1  }
0x6: {  	s12 =	simm.s32 $0x0;
	s5 =	sadd.s32 $0x80400, s5;
	s4 =	sor.u32 s4, s6  }
0x7: {  	s1 =	rddreg [dreg:$0x3];
	_ =	strace $0x8000004A;
	s8 =	ssub.s32 $0x1800, s4  }
.Ltmp0:
0x8: {  	s6 =	simm.s32 $0x1;
	s7 =	sand.u32 $0xF80, s8;
	(pc) =	sbr.rel .LBB2_1-.Ltmp0, $4  }
0x9: {  	[sflag:s6] =	ssyncpa.u1 $0x0;
	s11 =	smov.u32 s4;
	p0 =	sne.s32 s7, $0x0  }
0xa: {  	s8 =	sshrl.u32 s8, $0xC;
	s7 =	simm.s32 $0x2;
	s9 =	simm.s32 @!p0 $0x0  }
0xb: {  	[sflag:s7] =	ssyncpa.u1 $0x0;
	p0 =	por $0x0, $0x0;
	s8 =	sadd.s32 s9, s8  }
0xc: {  	vm0 =	vmmov $0xffff;
	[sflag:s10] =	ssyncpa.u1 $0x0;
	s10 =	simm.s32 $0x0;
	s9 =	sadd.s32 $0x1, s8  }
.LBB2_4:
0xd: {  	v2 =	vnsel vm1, $0x0, v2  }
0xe: {  	vm1 =	vgt.s32 v0, $0x0;
	v2 =	vmin.u32 v2, $0xFFF  }
0xf: {  	v0 =	vnsel vm1, $0x0, v0  }
0x10: {  	v0 =	vmin.u32 v0, $0xFFF  }
0x11: {  	[tilespmem:s15], [sflag:$0x1] =	stream.indirect_vreg.gather [hbm4b:s5+s10], $0x1, v1, vm0, $0x4038;
	[tilespmem:$0x200] =	vst v63  }
0x12: {  	(ifvalue) =	ssetifvalue $0x7FFFFFFF  }
0x13: {  	[tilespmem:s16], [sflag:$0x1] =	stream.indirect_vreg.gather [hbm4b:s5+s10], $0x1, v2, vm0, $0x4038;
	[tilespmem:$0x200] =	vst v63  }
0x14: {  	s29 =	sadd.s32 $0x10, s16;
	(ifvalue) =	ssetifvalue $0x7FFFFFFF  }
0x15: {  	[tilespmem:s29], [sflag:$0x1] =	stream.indirect_vreg.gather [hbm4b:s5+s10], $0x1, v0, vm0, $0x4038;
	[tilespmem:$0x200] =	vst v63  }
0x16: {  	_ =	swait.ge [sflag:s6], $0x80  }
0x17: {  	s30 =	sshrl.u32 s13, $0x3;
	[sflag:s6] =	ssyncset.done $0x0  }
0x18: {  	s31 =	sand.u32 $0x7, s13;
	s15 =	sadd.s32 s3, s30;
	[sflag:s6] =	ssyncadd.s32 $0xFFFFFF80  }
0x19: {  	[hbm4b:s15+s31] =	stream.linear.scatter [tilespmem:s14], [sflag:$0x3], $0x80, $0x38;
	[tilespmem:$0x200] =	vst v63  }
.LBB2_5:
0x1a: {  	s15 =	sadd.s32 $0x1000, s11  }
0x1b: {  	p2 =	sgt.s32 s15, $0x17FF  }
0x1c: {  	s15 =	smov.u32 @p2 s4;
	p2 =	sne.s32 s12, s9  }
.Ltmp1:
0x1d: {  	p1 =	slt.u32 s12, $0x2;
	(pc) =	sbr.rel @!p2 .LBB2_6-.Ltmp1, $4  }
0x1e: {  	s14 =	simm.s32 @!p1 $0x3  }
0x1f: {  	s16 =	sadd.s32 $0x1, s12;
	_ =	swait.ge @!p1 [sflag:s14], $0x80  }
0x20: {  	s13 =	smov.u32 s11;
	p0 =	por !p0, !p0;
	[sflag:s14] =	ssyncset.done @!p1 $0x0  }
0x21: {  	s12 =	smov.u32 s16;
	s11 =	smov.u32 s15;
	[sflag:s14] =	ssyncadd.s32 @!p1 $0xFFFFFF80  }
.LBB2_1:
0x22: {  	p1 =	sge.u32 s12, s8  }
0x23: {  	s14 =	sxor.u32 @!p1 $0xFFFFFFFF, s12  }
0x24: {  	s31 =	sadd.s32 $0xFFFFFFFF, s12;
	s15 =	sshrl.u32 @!p1 s11, $0x3;
	s14 =	sshll.u32 @!p1 s14, $0x7  }
0x25: {  	s16 =	sand.u32 @!p1 $0x7, s11;
	s15 =	sadd.s32 @!p1 s2, s15;
	s14 =	sand.u32 @!p1 $0x80, s14  }
0x26: {  	[tilespmem:s14], [sflag:$0x2] =	stream.linear.gather @!p1 [hbm4b:s15+s16], $0x80, $0x38;
	[tilespmem:$0x200] =	vst v63  }
0x27: {  	p1 =	sge.u32 s31, s8  }
.Ltmp2:
0x28: {  	_ = 	snop;
	(pc) =	sbr.rel @p1 .LBB2_5-.Ltmp2, $1  }
0x29: {  	_ =	sdelay $0x3  }
0x2a: {  	s14 =	simm.s32 $0x1  }
0x2b: {  	_ =	swait.ge [sflag:s7], $0x80;
	s14 =	simm.s32 @!p0 $0x0  }
0x2c: {  	[sflag:s7] =	ssyncset.done $0x0;
	s14 =	sshll.u32 s14, $0x7  }
0x2d: {  	[sflag:s7] =	ssyncadd.s32 $0xFFFFFF80;
	(ifvalue) =	ssetifvalue $0x7FFFFFFF;
	v0 =	vld.msk [tilespmem:s14+$0x0 ss:$0x1], $0xffff;
	_ =	sdelay $0x4  }
0x2e: {  	s15 =	sadd.s32 $0x10, s14;
	vm1 =	vgt.s32 v0, $0x0  }
0x2f: {  	v2 =	vld.msk [tilespmem:s15+$0x0 ss:$0x1], $0xffff;
	v1 =	vnsel vm1, $0x0, v0  }
0x30: {  	v1 =	vmin.u32 v1, $0xFFF;
	_ =	sdelay $0x1  }
0x31: {  	s16 =	sshll.u32 s12, $0x7;
	s18 =	simm.s32 $0x20  }
0x32: {  	s16 =	sand.u32 $0x80, s16;
	s17 =	sadd.s32 $0x10, s15;
	s15 =	sor.u32 $0x100, s14  }
0x33: {  	s14 =	sor.u32 $0x100, s16;
	s16 =	sadd.s32 $0x10, s15;
	v0 =	vld.msk [tilespmem:s17+$0x0 ss:$0x1], $0xffff;
	vm1 =	vgt.s32 v2, $0x0;
	(ifvalue) =	ssetifvalue $0x7FFFFFFF  }
.LBB2_3:
0x34: {  	[tilespmem:s15], [sflag:$0x1] =	stream.indirect_vreg.gather [hbm4b:s5+s10], $0x1, v1, vm0, $0x4038;
	[tilespmem:$0x200] =	vst v63  }
0x35: {  	s18 =	sadd.s32 $0x10, s18  }
0x36: {  	v2 =	vnsel vm1, $0x0, v2;
	p1 =	slt.u32 s18, $0x70  }
.Ltmp3:
0x37: {  	s15 =	smov.u32 s16;
	v1 =	vmin.u32 v2, $0xFFF;
	(pc) =	sbr.rel @p1 .LBB2_3-.Ltmp3, $3  }
0x38: {  	_ =	sdelay $0x1  }
0x39: {  	s17 =	sadd.s32 $0x10, s17  }
0x3a: {  	vm1 =	vgt.s32 v0, $0x0;
	s16 =	sadd.s32 $0x10, s16;
	v2 =	vmov v0;
	(ifvalue) =	ssetifvalue $0x7FFFFFFF;
	v0 =	vld.msk [tilespmem:s17+$0x0 ss:$0x1], $0xffff  }
.Ltmp4:
0x3b: {  	_ = 	snop;
	(pc) =	sbr.rel .LBB2_4-.Ltmp4, $1  }
0x3c: {  	_ =	sdelay $0x3  }
.LBB2_6:
0x3d: {  	_ =	sfence.sel $0x180000  }
0x3e: {  	s2 =	simm.s32 $0x2;
	[bflag:$0x0] =	sbarrier.arrive $0xFFFF  }
0x3f: {  	s30 =	simm.s32 $0x3;
	[sflag:s2] =	ssyncpa.u1 $0x1  }
0x40: {  	s31 =	simm.s32 $0x1;
	[sflag:s30] =	ssyncpa.u1 $0x1  }
0x41: {  	[sflag:s31] =	ssyncpa.u1 $0x1  }
0x42: {  	p0 =	sne.s32 s0, $0x0;
	_ =	strace $0x9000004A  }
0x43: {  	s0 =	sadd.s32 @!p0 $0x100000, s1;
	[bflag:$0x2] =	sbarrier.arrive $0xFFFF  }
0x44: {  	[sflag:s0] =	ssyncadd.tile.s32 @!p0 $0x1;
	_ =	shalt  }
.Lfunc_end2:
_tile_overlayer_lowered:
.L_overlay_start_2:
0x45: {  	(tag) =	ssettag $0x2  }
0x46: {  	s0 =	rddreg [dreg:$0x0];
	s2 =	stileid.u32  }
0x47: {  	s1 =	rddreg [dreg:$0x1];
	p0 =	sne.s32 s2, $0x0  }
0x48: {  	s3 =	rddreg [dreg:$0x2];
	[bflag:$0x3] =	sbarrier.arrive $0xFFFF;
	s2 =	simm.s32 @!p0 $0x1C01  }
0x49: {  	[timem:s3], [sflag:s2] =	dma.local @!p0 [hbm:s0], s1  }
0x4a: {  	s0 =	simm.s32 @!p0 $0x1  }
0x4b: {  	_ =	swait.ge @!p0 [sflag:s0], s1  }
0x4c: {  	s1 =	ssub.s32 @!p0 $0x0, s1;
	[sflag:s0] =	ssyncset.done @!p0 $0x0  }
0x4d: {  	[sflag:s0] =	ssyncadd.s32 @!p0 s1  }
0x4e: {  	[bflag:$0x3] =	sbarrier.arrive $0xFFFF  }
0x4f: {  	_ =	shalt  }

// kernel: gather_offload_async_start
scs
__scs_entry_jumppad:
0x0: {  	(pc) =	sbr.rel $0x88, $3  }
0x1: {  	(tag) =	ssettag $0x0;
	lr =	simm.s32 $0x1  }
0x2: {  	[smem:$0x3F8E] =	sst lr;
	_ =	strace $0xD0000000  }
0x3: {  	_ = 	snop  }
0x4: {  	_ = 	snop  }
0x5: {  	_ = 	snop  }
0x6: {  	_ = 	snop  }
0x7: {  	_ = 	snop  }
__scs_overlays_trampoline_lowered:
0x8: {  	[smem:$0x3F9D] =	sst s0  }
0x9: {  	[smem:$0x3F9E] =	sst s1  }
0xa: {  	[smem:$0x3F9F] =	sst s2  }
0xb: {  	[smem:$0x3FA0] =	sst s3  }
0xc: {  	[smem:$0x3FA1] =	sst s4  }
0xd: {  	[smem:$0x3FA2] =	sst s5  }
0xe: {  	[smem:$0x3FA3] =	sst s6  }
0xf: {  	[smem:$0x3FA4] =	sst s7  }
0x10: {  	[smem:$0x3FA5] =	sst s8  }
0x11: {  	[smem:$0x3FA6] =	sst s9;
	s0 =	simm.s32 @!p0 $0x0  }
0x12: {  	s1 =	sld [smem:$0x3F8C];
	s0 =	simm.s32 @p0 $0x1  }
0x13: {  	[smem:$0x3FA7] =	sst s0;
	s0 =	simm.s32 @!p1 $0x0  }
0x14: {  	s2 =	sld [smem:$0x3F8B];
	s0 =	simm.s32 @p1 $0x1  }
0x15: {  	[smem:$0x3FA8] =	sst s0;
	s0 =	simm.s32 @!p2 $0x0  }
0x16: {  	s3 =	sld [smem:$0x3FDB];
	s0 =	simm.s32 @p2 $0x1  }
0x17: {  	s4 =	simm.s32 $0x1BF5;
	[smem:$0x3FAA] =	sst s0  }
0x18: {  	s0 =	sld [smem:$0x3F8D];
	_ =	swait.ge [sflag:s4], $0x0  }
0x19: {  	s7 =	sld [smem:$0x3F8E]  }
0x1a: {  	s8 =	sadd.s32 $0xFFFFE003, lr  }
0x1b: {  	s9 =	sadd.s32 $0xFFFFFEF7, lr;
	s5 =	simm.s32 $0xFFFFFFFF;
	p2 =	slt.u32 s8, $0xFFFFF086  }
0x1c: {  	p1 =	slt.u32 s9, $0xF7A;
	s5 =	simm.s32 @!p2 $0x0  }
0x1d: {  	s5 =	simm.s32 @p1 $0x1;
	p0 =	seq.s32 s7, s2  }
0x1e: {  	s7 =	smul.u32 @!p0 $0xF7A, s2;
	p2 =	seq.s32 @!p0 s5, $0x0  }
0x1f: {  	s9 =	smul.u32 $0xF7A, s1;
	s8 =	simm.s32 @!p0 $0x1BF5;
	p2 =	por !p2, p0  }
0x20: {  	[sflag:s8] =	ssyncset.s32 @!p0 $0xFFFFF086;
	s6 =	sadd.s32 @!p0 s3, s7;
	s7 =	simm.s32 @!p0 $0x108  }
0x21: {  	s3 =	sadd.s32 s3, s9;
	s6 =	sadd.s32 @!p0 $0x88, s6;
	s7 =	simm.s32 @p2 $0x1082  }
0x22: {  	[simem:s7], [sflag:s8] =	dma.local @!p0 [hbm:s6], $0xF7A  }
0x23: {  	s9 =	sor.u32 $0xD0000000, s2;
	s6 =	simm.s32 $0x108;
	_ =	swait.ge @!p0 [sflag:s8], $0x0  }
0x24: {  	s3 =	sadd.s32 $0x88, s3;
	s6 =	simm.s32 @!p1 $0x1082;
	[sflag:s4] =	ssyncset.s32 $0xFFFFF086  }
0x25: {  	[simem:s6], [sflag:s4] =	dma.local [hbm:s3], $0xF7A  }
0x26: {  	[smem:$0x3F8E] =	sst s1;
	(tag) =	ssettag s2;
	_ =	strace s9  }
0x27: {  	s1 =	sld [smem:$0x3F9E]  }
0x28: {  	s2 =	sld [smem:$0x3F9F]  }
0x29: {  	s4 =	sld [smem:$0x3FA1]  }
0x2a: {  	p0 =	seq.s32 s5, $0x0;
	s5 =	sld [smem:$0x3FA2]  }
0x2b: {  	s6 =	sld [smem:$0x3FA3]  }
0x2c: {  	s7 =	sld [smem:$0x3FA4]  }
0x2d: {  	s3 =	simm.s32 $0x108;
	s8 =	sld [smem:$0x3FA5]  }
0x2e: {  	s3 =	simm.s32 @!p0 $0x1082;
	s9 =	sld [smem:$0x3FA6]  }
0x2f: {  	lr =	sadd.s32 s0, s3;
	s0 =	sld [smem:$0x3F9D]  }
0x30: {  	s3 =	sld [smem:$0x3FA0]  }
0x31: {  	[smem:$0x3FA9] =	sst s10  }
0x32: {  	s10 =	sld [smem:$0x3FA7];
	_ =	sdelay $0x3  }
0x33: {  	p0 =	seq.s32 s10, $0x1;
	s10 =	sld [smem:$0x3FA9];
	_ =	sdelay $0x3  }
0x34: {  	[smem:$0x3FA9] =	sst s10  }
0x35: {  	s10 =	sld [smem:$0x3FA8];
	_ =	sdelay $0x3  }
0x36: {  	p1 =	seq.s32 s10, $0x1;
	s10 =	sld [smem:$0x3FA9];
	_ =	sdelay $0x3  }
0x37: {  	[smem:$0x3FA9] =	sst s10  }
0x38: {  	s10 =	sld [smem:$0x3FAA]  }
0x39: {  	_ = 	snop;
	(pc) =	sbr.ind lr, $3  }
0x3a: {  	_ = 	snop  }
0x3b: {  	_ = 	snop  }
0x3c: {  	p2 =	seq.s32 s10, $0x1;
	s10 =	sld [smem:$0x3FA9]  }
0x3d: {  	_ =	shalt  }
0x3e: {  	_ =	shalt  }
0x3f: {  	_ =	shalt  }
0x40: {  	_ =	shalt  }
0x41: {  	_ =	shalt  }
0x42: {  	_ =	shalt  }
0x43: {  	_ =	shalt  }
0x44: {  	_ =	shalt  }
0x45: {  	_ =	shalt  }
0x46: {  	_ =	shalt  }
0x47: {  	_ =	shalt  }
0x48: {  	_ =	shalt  }
0x49: {  	_ =	shalt  }
0x4a: {  	_ =	shalt  }
0x4b: {  	_ =	shalt  }
0x4c: {  	_ =	shalt  }
0x4d: {  	_ =	shalt  }
0x4e: {  	_ =	shalt  }
0x4f: {  	_ =	shalt  }
0x50: {  	_ =	shalt  }
0x51: {  	_ =	shalt  }
0x52: {  	_ =	shalt  }
0x53: {  	_ =	shalt  }
0x54: {  	_ =	shalt  }
0x55: {  	_ =	shalt  }
0x56: {  	_ =	shalt  }
0x57: {  	_ =	shalt  }
0x58: {  	_ =	shalt  }
0x59: {  	_ =	shalt  }
0x5a: {  	_ =	shalt  }
0x5b: {  	_ =	shalt  }
0x5c: {  	_ =	shalt  }
0x5d: {  	_ =	shalt  }
0x5e: {  	_ =	shalt  }
0x5f: {  	_ =	shalt  }
0x60: {  	_ =	shalt  }
0x61: {  	_ =	shalt  }
0x62: {  	_ =	shalt  }
0x63: {  	_ =	shalt  }
0x64: {  	_ =	shalt  }
0x65: {  	_ =	shalt  }
0x66: {  	_ =	shalt  }
0x67: {  	_ =	shalt  }
0x68: {  	_ =	shalt  }
0x69: {  	_ =	shalt  }
0x6a: {  	_ =	shalt  }
0x6b: {  	_ =	shalt  }
0x6c: {  	_ =	shalt  }
0x6d: {  	_ =	shalt  }
0x6e: {  	_ =	shalt  }
0x6f: {  	_ =	shalt  }
0x70: {  	_ =	shalt  }
0x71: {  	_ =	shalt  }
0x72: {  	_ =	shalt  }
0x73: {  	_ =	shalt  }
0x74: {  	_ =	shalt  }
0x75: {  	_ =	shalt  }
0x76: {  	_ =	shalt  }
0x77: {  	_ =	shalt  }
0x78: {  	_ =	shalt  }
0x79: {  	_ =	shalt  }
0x7a: {  	_ =	shalt  }
0x7b: {  	_ =	shalt  }
0x7c: {  	_ =	shalt  }
0x7d: {  	_ =	shalt  }
0x7e: {  	_ =	shalt  }
0x7f: {  	_ =	shalt  }
0x80: {  	_ =	shalt  }
0x81: {  	_ =	shalt  }
0x82: {  	_ =	shalt  }
0x83: {  	_ =	shalt  }
0x84: {  	_ =	shalt  }
0x85: {  	_ =	shalt  }
0x86: {  	_ =	shalt  }
0x87: {  	_ =	shalt  }
.Lfunc_end0:
.L_simem_size_0:
called_computation_lowered:
.L_overlay_start_0:
0x88: {  	s2 =	sld [smem:$0x3FD9]  }
0x89: {  	s3 =	sld [smem:$0x3FFE];
	_ =	sdelay $0x1  }
0x8a: {  	s1 =	srdreg.scid  }
0x8b: {  	s0 =	sand.u32 $0x1, s1  }
0x8c: {  	s14 =	sshll.u32 s0, $0xA;
	s2 =	sadd.s32 s3, s2  }
0x8d: {  	s2 =	sadd.s32 s2, s14  }
0x8e: {  	[smem:$0x3FB5] =	sst s2  }
0x8f: {  	_ = 	snop  }
0x90: {  	s2 =	sld [smem:$0x3FD0];
	_ =	sdelay $0x2  }
0x91: {  	s15 =	simm.s32 $0xA;
	s4 =	simm.s32 $0x10  }
0x92: {  	[smem:s4], [sflag:s15] =	dma.local [hbm:s2], $0x1  }
0x93: {  	_ =	swait.eq [sflag:s15], $0x1  }
0x94: {  	[sflag:s15] =	ssyncset.done $0x0  }
0x95: {  	[sflag:s15] =	ssyncadd.s32 $0xFFFFFFFF  }
0x96: {  	s16 =	sld [smem:$0x11];
	(tm) =	ssettm $0x1  }
0x97: {  	s17 =	sld [smem:$0x3FFB];
	_ =	sdelay $0x3  }
0x98: {  	_ =	strace s17  }
0x99: {  	s3 =	sld [smem:$0x3FFC];
	_ =	sdelay $0x3  }
0x9a: {  	_ =	strace s3  }
0x9b: {  	s3 =	sld [smem:$0x3FFD];
	_ =	sdelay $0x3  }
0x9c: {  	_ =	strace s3  }
0x9d: {  	_ =	strace $0x8FFFFFFF  }
0x9e: {  	s18 =	sld [smem:$0x3FDB];
	_ =	sdelay $0x1  }
0x9f: {  	s19 =	simm.s32 $_scs_section_size  }
0xa0: {  	s5 =	simm.s32 $_size__tile_overlayer_lowered;
	s6 =	simm.s32 $_tile_overlayer_lowered  }
0xa1: {  	s22 =	simm.s32 $0x1BFF;
	s21 =	sshll.u32 s6, $0x1;
	s3 =	sadd.s32 s19, s18  }
0xa2: {  	s7 =	simm.s32 $0x0;
	s20 =	sshll.u32 s5, $0x1;
	s5 =	sadd.s32 s21, s3  }
0xa3: {  	[timem:s7], [sflag:s22] =	dma.local [hbm:s5], s20  }
0xa4: {  	_ =	swait.ge [sflag:s22], s20  }
0xa5: {  	s4 =	ssub.s32 $0x0, s20;
	[sflag:s22] =	ssyncset.done $0x0  }
0xa6: {  	[sflag:s22] =	ssyncadd.s32 s4;
	_ =	sdelay $0x1  }
0xa7: {  	s23 =	simm.s32 $0x1B8B  }
0xa8: {  	_ =	swait.ge [sflag:s23], $0x1  }
0xa9: {  	[sflag:s23] =	ssyncset.done $0x0  }
0xaa: {  	s25 =	simm.s32 $0x1B8E;
	s24 =	sld [smem:$0x3FFE];
	[sflag:s23] =	ssyncadd.s32 $0xFFFFFFFF  }
0xab: {  	s26 =	simm.s32 $execute0_lowered;
	[smem:$0x3FD2] =	sst s25  }
0xac: {  	s5 =	sshll.u32 s26, $0x1;
	_ =	strace $0x80000046;
	[dreg:$0x1] =	wrdreg $0xFFFFFFFF  }
0xad: {  	s28 =	simm.s32 $_size_execute0_lowered;
	s3 =	sadd.s32 s3, s5;
	[dreg:$0x0] =	wrdreg $0x0  }
0xae: {  	s5 =	sshll.u32 s28, $0x1;
	[dreg:$0x2] =	wrdreg s3  }
0xaf: {  	[dreg:$0x3] =	wrdreg s5  }
0xb0: {  	[dreg:$0x4] =	wrdreg $0xC0  }
0xb1: {  	_ =	task [dreg:s7], $0x5FFFF  }
0xb2: {  	[dreg:$0x1] =	wrdreg $0xFFFFFFFF  }
0xb3: {  	[dreg:$0x0] =	wrdreg $0x60  }
0xb4: {  	[dreg:$0x2] =	wrdreg s24  }
0xb5: {  	[dreg:$0x3] =	wrdreg s16  }
0xb6: {  	[dreg:$0x4] =	wrdreg $0x9  }
0xb7: {  	_ =	task.clear_ibuf [dreg:s7], $0x5FFFF;
	_ =	strace $0x90000046  }
0xb8: {  	s29 =	simm.s32 $0x9;
	_ =	strace $0x80000048  }
0xb9: {  	_ =	swait.ge [sflag:s29], $0x1  }
0xba: {  	[sflag:s29] =	ssyncadd.s32 $0xFFFFFFFF  }
0xbb: {  	_ =	strace $0x90000048  }
0xbc: {  	_ =	sfence  }
0xbd: {  	s30 =	sld [smem:$0x0];
	_ =	sdelay $0x2  }
0xbe: {  	s31 =	sshll.u32 s1, $0xD;
	s1 =	sshrl.u32 s1, $0x2  }
0xbf: {  	s3 =	sand.u32 $0x4000, s31;
	s1 =	sadd.s32 s1, s30  }
0xc0: {  	s0 =	sor.u32 s3, s0;
	s1 =	sshll.u32 s1, $0x11  }
0xc1: {  	s0 =	sor.u32 s1, s0  }
0xc2: {  	s0 =	sadd.s32 $0x8F2B, s0  }
0xc3: {  	[sflag:s0] =	ssyncadd.remote.s32 $0x1  }
0xc4: {  	_ =	sfence.sel $0xFFFF  }
0xc5: {  	[dreg:$0x0] =	wrdreg $0xFFFFFFFF;
	(pc) =	sbr.abs _section_cstart, $3  }
0xc6: {  	[dreg:$0x1] =	wrdreg $0xFFFFFFFF  }
0xc7: {  	_ =	task.clear_ibuf [dreg:s7], $0x2FFFF;
	_ =	strace $0x9FFFFFFF  }
0xc8: {  	(tm) =	ssettm $0x7FFFFFFF  }
0xc9: {  	_ =	shalt  }
tec
execute0_lowered:
.L_overlay_start_1:
0x0: {  	(tag) =	ssettag $0x1  }
0x1: {  	s1 =	srdreg.scid;
	s5 =	rddreg [dreg:$0x0]  }
0x2: {  	s0 =	stileid.u32;
	s2 =	rddreg [dreg:$0x1];
	s6 =	simm.s32 $0x1  }
0x3: {  	s9 =	simm.s32 $0x1;
	s10 =	simm.s32 $0x3;
	s1 =	sshll.u32 s1, $0x7  }
0x4: {  	s13 =	simm.s32 $0x0;
	s3 =	sshll.u32 s0, $0x8;
	s4 =	sand.u32 $0x80, s1  }
0x5: {  	s12 =	simm.s32 $0x0;
	s1 =	rddreg [dreg:$0x2];
	s3 =	sor.u32 s3, s4  }
0x6: {  	_ =	strace $0x80000047;
	s4 =	sadd.s32 $0x80E00, s5;
	s8 =	ssub.s32 $0x1800, s3  }
.Ltmp0:
0x7: {  	s5 =	sadd.s32 $0x80000, s5;
	s7 =	sand.u32 $0xF80, s8;
	(pc) =	sbr.rel .LBB2_1-.Ltmp0, $4  }
0x8: {  	[sflag:s6] =	ssyncpa.u1 $0x0;
	s11 =	smov.u32 s3;
	p0 =	sne.s32 s7, $0x0  }
0x9: {  	s8 =	sshrl.u32 s8, $0xC;
	s7 =	simm.s32 $0x2;
	s9 =	simm.s32 @!p0 $0x0  }
0xa: {  	[sflag:s7] =	ssyncpa.u1 $0x0;
	p0 =	por $0x0, $0x0;
	s8 =	sadd.s32 s9, s8  }
0xb: {  	vm0 =	vmmov $0xffff;
	[sflag:s10] =	ssyncpa.u1 $0x0;
	s10 =	simm.s32 $0x0;
	s9 =	sadd.s32 $0x1, s8  }
.LBB2_4:
0xc: {  	v2 =	vnsel vm1, $0x0, v2  }
0xd: {  	vm1 =	vgt.s32 v0, $0x0;
	v2 =	vmin.u32 v2, $0xFFF  }
0xe: {  	v0 =	vnsel vm1, $0x0, v0  }
0xf: {  	v0 =	vmin.u32 v0, $0xFFF  }
0x10: {  	[tilespmem:s15], [sflag:$0x1] =	stream.indirect_vreg.gather [hbm4b:s4+s10], $0x1, v1, vm0, $0x4038;
	[tilespmem:$0x200] =	vst v63  }
0x11: {  	(ifvalue) =	ssetifvalue $0x7FFFFFFF  }
0x12: {  	[tilespmem:s16], [sflag:$0x1] =	stream.indirect_vreg.gather [hbm4b:s4+s10], $0x1, v2, vm0, $0x4038;
	[tilespmem:$0x200] =	vst v63  }
0x13: {  	s29 =	sadd.s32 $0x10, s16;
	(ifvalue) =	ssetifvalue $0x7FFFFFFF  }
0x14: {  	[tilespmem:s29], [sflag:$0x1] =	stream.indirect_vreg.gather [hbm4b:s4+s10], $0x1, v0, vm0, $0x4038;
	[tilespmem:$0x200] =	vst v63  }
0x15: {  	_ =	swait.ge [sflag:s6], $0x80  }
0x16: {  	s30 =	sshrl.u32 s13, $0x3;
	[sflag:s6] =	ssyncset.done $0x0  }
0x17: {  	s31 =	sand.u32 $0x7, s13;
	s15 =	sadd.s32 s5, s30;
	[sflag:s6] =	ssyncadd.s32 $0xFFFFFF80  }
0x18: {  	[hbm4b:s15+s31] =	stream.linear.scatter [tilespmem:s14], [sflag:$0x3], $0x80, $0x38;
	[tilespmem:$0x200] =	vst v63  }
.LBB2_5:
0x19: {  	s15 =	sadd.s32 $0x1000, s11  }
0x1a: {  	p2 =	sgt.s32 s15, $0x17FF  }
0x1b: {  	s15 =	smov.u32 @p2 s3;
	p2 =	sne.s32 s12, s9  }
.Ltmp1:
0x1c: {  	p1 =	slt.u32 s12, $0x2;
	(pc) =	sbr.rel @!p2 .LBB2_6-.Ltmp1, $4  }
0x1d: {  	s14 =	simm.s32 @!p1 $0x3  }
0x1e: {  	s16 =	sadd.s32 $0x1, s12;
	_ =	swait.ge @!p1 [sflag:s14], $0x80  }
0x1f: {  	s13 =	smov.u32 s11;
	p0 =	por !p0, !p0;
	[sflag:s14] =	ssyncset.done @!p1 $0x0  }
0x20: {  	s12 =	smov.u32 s16;
	s11 =	smov.u32 s15;
	[sflag:s14] =	ssyncadd.s32 @!p1 $0xFFFFFF80  }
.LBB2_1:
0x21: {  	p1 =	sge.u32 s12, s8  }
0x22: {  	s14 =	sxor.u32 @!p1 $0xFFFFFFFF, s12  }
0x23: {  	s31 =	sadd.s32 $0xFFFFFFFF, s12;
	s15 =	sshrl.u32 @!p1 s11, $0x3;
	s14 =	sshll.u32 @!p1 s14, $0x7  }
0x24: {  	s16 =	sand.u32 @!p1 $0x7, s11;
	s15 =	sadd.s32 @!p1 s2, s15;
	s14 =	sand.u32 @!p1 $0x80, s14  }
0x25: {  	[tilespmem:s14], [sflag:$0x2] =	stream.linear.gather @!p1 [hbm4b:s15+s16], $0x80, $0x38;
	[tilespmem:$0x200] =	vst v63  }
0x26: {  	p1 =	sge.u32 s31, s8  }
.Ltmp2:
0x27: {  	_ = 	snop;
	(pc) =	sbr.rel @p1 .LBB2_5-.Ltmp2, $1  }
0x28: {  	_ =	sdelay $0x3  }
0x29: {  	s14 =	simm.s32 $0x1  }
0x2a: {  	_ =	swait.ge [sflag:s7], $0x80;
	s14 =	simm.s32 @!p0 $0x0  }
0x2b: {  	[sflag:s7] =	ssyncset.done $0x0;
	s14 =	sshll.u32 s14, $0x7  }
0x2c: {  	[sflag:s7] =	ssyncadd.s32 $0xFFFFFF80;
	(ifvalue) =	ssetifvalue $0x7FFFFFFF;
	v0 =	vld.msk [tilespmem:s14+$0x0 ss:$0x1], $0xffff;
	_ =	sdelay $0x4  }
0x2d: {  	s15 =	sadd.s32 $0x10, s14;
	vm1 =	vgt.s32 v0, $0x0  }
0x2e: {  	v2 =	vld.msk [tilespmem:s15+$0x0 ss:$0x1], $0xffff;
	v1 =	vnsel vm1, $0x0, v0  }
0x2f: {  	v1 =	vmin.u32 v1, $0xFFF;
	_ =	sdelay $0x1  }
0x30: {  	s16 =	sshll.u32 s12, $0x7;
	s18 =	simm.s32 $0x20  }
0x31: {  	s16 =	sand.u32 $0x80, s16;
	s17 =	sadd.s32 $0x10, s15;
	s15 =	sor.u32 $0x100, s14  }
0x32: {  	s14 =	sor.u32 $0x100, s16;
	s16 =	sadd.s32 $0x10, s15;
	v0 =	vld.msk [tilespmem:s17+$0x0 ss:$0x1], $0xffff;
	vm1 =	vgt.s32 v2, $0x0;
	(ifvalue) =	ssetifvalue $0x7FFFFFFF  }
.LBB2_3:
0x33: {  	[tilespmem:s15], [sflag:$0x1] =	stream.indirect_vreg.gather [hbm4b:s4+s10], $0x1, v1, vm0, $0x4038;
	[tilespmem:$0x200] =	vst v63  }
0x34: {  	s18 =	sadd.s32 $0x10, s18  }
0x35: {  	v2 =	vnsel vm1, $0x0, v2;
	p1 =	slt.u32 s18, $0x70  }
.Ltmp3:
0x36: {  	s15 =	smov.u32 s16;
	v1 =	vmin.u32 v2, $0xFFF;
	(pc) =	sbr.rel @p1 .LBB2_3-.Ltmp3, $3  }
0x37: {  	_ =	sdelay $0x1  }
0x38: {  	s17 =	sadd.s32 $0x10, s17  }
0x39: {  	vm1 =	vgt.s32 v0, $0x0;
	s16 =	sadd.s32 $0x10, s16;
	v2 =	vmov v0;
	(ifvalue) =	ssetifvalue $0x7FFFFFFF;
	v0 =	vld.msk [tilespmem:s17+$0x0 ss:$0x1], $0xffff  }
.Ltmp4:
0x3a: {  	_ = 	snop;
	(pc) =	sbr.rel .LBB2_4-.Ltmp4, $1  }
0x3b: {  	_ =	sdelay $0x3  }
.LBB2_6:
0x3c: {  	_ =	sfence.sel $0x180000  }
0x3d: {  	s2 =	simm.s32 $0x2;
	[bflag:$0x0] =	sbarrier.arrive $0xFFFF  }
0x3e: {  	s30 =	simm.s32 $0x3;
	[sflag:s2] =	ssyncpa.u1 $0x1  }
0x3f: {  	s31 =	simm.s32 $0x1;
	[sflag:s30] =	ssyncpa.u1 $0x1  }
0x40: {  	[sflag:s31] =	ssyncpa.u1 $0x1  }
0x41: {  	p0 =	sne.s32 s0, $0x0;
	_ =	strace $0x90000047  }
0x42: {  	s0 =	sadd.s32 @!p0 $0x100000, s1;
	[bflag:$0x2] =	sbarrier.arrive $0xFFFF  }
0x43: {  	[sflag:s0] =	ssyncadd.tile.s32 @!p0 $0x1;
	_ =	shalt  }
.Lfunc_end2:
_tile_overlayer_lowered:
.L_overlay_start_2:
0x44: {  	(tag) =	ssettag $0x2  }
0x45: {  	s0 =	rddreg [dreg:$0x0];
	s2 =	stileid.u32  }
0x46: {  	s1 =	rddreg [dreg:$0x1];
	p0 =	sne.s32 s2, $0x0  }
0x47: {  	s3 =	rddreg [dreg:$0x2];
	[bflag:$0x3] =	sbarrier.arrive $0xFFFF;
	s2 =	simm.s32 @!p0 $0x1C01  }
0x48: {  	[timem:s3], [sflag:s2] =	dma.local @!p0 [hbm:s0], s1  }
0x49: {  	s0 =	simm.s32 @!p0 $0x1  }
0x4a: {  	_ =	swait.ge @!p0 [sflag:s0], s1  }
0x4b: {  	s1 =	ssub.s32 @!p0 $0x0, s1;
	[sflag:s0] =	ssyncset.done @!p0 $0x0  }
0x4c: {  	[sflag:s0] =	ssyncadd.s32 @!p0 s1  }
0x4d: {  	[bflag:$0x3] =	sbarrier.arrive $0xFFFF  }
0x4e: {  	_ =	shalt  }

// kernel: kernel.9.cloned.1.call-start
scs
__scs_entry_jumppad:
0x0: {  	(pc) =	sbr.rel $0x88, $3  }
0x1: {  	(tag) =	ssettag $0x0;
	lr =	simm.s32 $0x1  }
0x2: {  	[smem:$0x3F8E] =	sst lr;
	_ =	strace $0xD0000000  }
0x3: {  	_ = 	snop  }
0x4: {  	_ = 	snop  }
0x5: {  	_ = 	snop  }
0x6: {  	_ = 	snop  }
0x7: {  	_ = 	snop  }
__scs_overlays_trampoline_lowered:
0x8: {  	[smem:$0x3F9D] =	sst s0  }
0x9: {  	[smem:$0x3F9E] =	sst s1  }
0xa: {  	[smem:$0x3F9F] =	sst s2  }
0xb: {  	[smem:$0x3FA0] =	sst s3  }
0xc: {  	[smem:$0x3FA1] =	sst s4  }
0xd: {  	[smem:$0x3FA2] =	sst s5  }
0xe: {  	[smem:$0x3FA3] =	sst s6  }
0xf: {  	[smem:$0x3FA4] =	sst s7  }
0x10: {  	[smem:$0x3FA5] =	sst s8  }
0x11: {  	[smem:$0x3FA6] =	sst s9;
	s0 =	simm.s32 @!p0 $0x0  }
0x12: {  	s1 =	sld [smem:$0x3F8C];
	s0 =	simm.s32 @p0 $0x1  }
0x13: {  	[smem:$0x3FA7] =	sst s0;
	s0 =	simm.s32 @!p1 $0x0  }
0x14: {  	s2 =	sld [smem:$0x3F8B];
	s0 =	simm.s32 @p1 $0x1  }
0x15: {  	[smem:$0x3FA8] =	sst s0;
	s0 =	simm.s32 @!p2 $0x0  }
0x16: {  	s3 =	sld [smem:$0x3FDB];
	s0 =	simm.s32 @p2 $0x1  }
0x17: {  	s4 =	simm.s32 $0x1BF5;
	[smem:$0x3FAA] =	sst s0  }
0x18: {  	s0 =	sld [smem:$0x3F8D];
	_ =	swait.ge [sflag:s4], $0x0  }
0x19: {  	s7 =	sld [smem:$0x3F8E]  }
0x1a: {  	s8 =	sadd.s32 $0xFFFFE003, lr  }
0x1b: {  	s9 =	sadd.s32 $0xFFFFFEF7, lr;
	s5 =	simm.s32 $0xFFFFFFFF;
	p2 =	slt.u32 s8, $0xFFFFF086  }
0x1c: {  	p1 =	slt.u32 s9, $0xF7A;
	s5 =	simm.s32 @!p2 $0x0  }
0x1d: {  	s5 =	simm.s32 @p1 $0x1;
	p0 =	seq.s32 s7, s2  }
0x1e: {  	s7 =	smul.u32 @!p0 $0xF7A, s2;
	p2 =	seq.s32 @!p0 s5, $0x0  }
0x1f: {  	s9 =	smul.u32 $0xF7A, s1;
	s8 =	simm.s32 @!p0 $0x1BF5;
	p2 =	por !p2, p0  }
0x20: {  	[sflag:s8] =	ssyncset.s32 @!p0 $0xFFFFF086;
	s6 =	sadd.s32 @!p0 s3, s7;
	s7 =	simm.s32 @!p0 $0x108  }
0x21: {  	s3 =	sadd.s32 s3, s9;
	s6 =	sadd.s32 @!p0 $0x88, s6;
	s7 =	simm.s32 @p2 $0x1082  }
0x22: {  	[simem:s7], [sflag:s8] =	dma.local @!p0 [hbm:s6], $0xF7A  }
0x23: {  	s9 =	sor.u32 $0xD0000000, s2;
	s6 =	simm.s32 $0x108;
	_ =	swait.ge @!p0 [sflag:s8], $0x0  }
0x24: {  	s3 =	sadd.s32 $0x88, s3;
	s6 =	simm.s32 @!p1 $0x1082;
	[sflag:s4] =	ssyncset.s32 $0xFFFFF086  }
0x25: {  	[simem:s6], [sflag:s4] =	dma.local [hbm:s3], $0xF7A  }
0x26: {  	[smem:$0x3F8E] =	sst s1;
	(tag) =	ssettag s2;
	_ =	strace s9  }
0x27: {  	s1 =	sld [smem:$0x3F9E]  }
0x28: {  	s2 =	sld [smem:$0x3F9F]  }
0x29: {  	s4 =	sld [smem:$0x3FA1]  }
0x2a: {  	p0 =	seq.s32 s5, $0x0;
	s5 =	sld [smem:$0x3FA2]  }
0x2b: {  	s6 =	sld [smem:$0x3FA3]  }
0x2c: {  	s7 =	sld [smem:$0x3FA4]  }
0x2d: {  	s3 =	simm.s32 $0x108;
	s8 =	sld [smem:$0x3FA5]  }
0x2e: {  	s3 =	simm.s32 @!p0 $0x1082;
	s9 =	sld [smem:$0x3FA6]  }
0x2f: {  	lr =	sadd.s32 s0, s3;
	s0 =	sld [smem:$0x3F9D]  }
0x30: {  	s3 =	sld [smem:$0x3FA0]  }
0x31: {  	[smem:$0x3FA9] =	sst s10  }
0x32: {  	s10 =	sld [smem:$0x3FA7];
	_ =	sdelay $0x3  }
0x33: {  	p0 =	seq.s32 s10, $0x1;
	s10 =	sld [smem:$0x3FA9];
	_ =	sdelay $0x3  }
0x34: {  	[smem:$0x3FA9] =	sst s10  }
0x35: {  	s10 =	sld [smem:$0x3FA8];
	_ =	sdelay $0x3  }
0x36: {  	p1 =	seq.s32 s10, $0x1;
	s10 =	sld [smem:$0x3FA9];
	_ =	sdelay $0x3  }
0x37: {  	[smem:$0x3FA9] =	sst s10  }
0x38: {  	s10 =	sld [smem:$0x3FAA]  }
0x39: {  	_ = 	snop;
	(pc) =	sbr.ind lr, $3  }
0x3a: {  	_ = 	snop  }
0x3b: {  	_ = 	snop  }
0x3c: {  	p2 =	seq.s32 s10, $0x1;
	s10 =	sld [smem:$0x3FA9]  }
0x3d: {  	_ =	shalt  }
0x3e: {  	_ =	shalt  }
0x3f: {  	_ =	shalt  }
0x40: {  	_ =	shalt  }
0x41: {  	_ =	shalt  }
0x42: {  	_ =	shalt  }
0x43: {  	_ =	shalt  }
0x44: {  	_ =	shalt  }
0x45: {  	_ =	shalt  }
0x46: {  	_ =	shalt  }
0x47: {  	_ =	shalt  }
0x48: {  	_ =	shalt  }
0x49: {  	_ =	shalt  }
0x4a: {  	_ =	shalt  }
0x4b: {  	_ =	shalt  }
0x4c: {  	_ =	shalt  }
0x4d: {  	_ =	shalt  }
0x4e: {  	_ =	shalt  }
0x4f: {  	_ =	shalt  }
0x50: {  	_ =	shalt  }
0x51: {  	_ =	shalt  }
0x52: {  	_ =	shalt  }
0x53: {  	_ =	shalt  }
0x54: {  	_ =	shalt  }
0x55: {  	_ =	shalt  }
0x56: {  	_ =	shalt  }
0x57: {  	_ =	shalt  }
0x58: {  	_ =	shalt  }
0x59: {  	_ =	shalt  }
0x5a: {  	_ =	shalt  }
0x5b: {  	_ =	shalt  }
0x5c: {  	_ =	shalt  }
0x5d: {  	_ =	shalt  }
0x5e: {  	_ =	shalt  }
0x5f: {  	_ =	shalt  }
0x60: {  	_ =	shalt  }
0x61: {  	_ =	shalt  }
0x62: {  	_ =	shalt  }
0x63: {  	_ =	shalt  }
0x64: {  	_ =	shalt  }
0x65: {  	_ =	shalt  }
0x66: {  	_ =	shalt  }
0x67: {  	_ =	shalt  }
0x68: {  	_ =	shalt  }
0x69: {  	_ =	shalt  }
0x6a: {  	_ =	shalt  }
0x6b: {  	_ =	shalt  }
0x6c: {  	_ =	shalt  }
0x6d: {  	_ =	shalt  }
0x6e: {  	_ =	shalt  }
0x6f: {  	_ =	shalt  }
0x70: {  	_ =	shalt  }
0x71: {  	_ =	shalt  }
0x72: {  	_ =	shalt  }
0x73: {  	_ =	shalt  }
0x74: {  	_ =	shalt  }
0x75: {  	_ =	shalt  }
0x76: {  	_ =	shalt  }
0x77: {  	_ =	shalt  }
0x78: {  	_ =	shalt  }
0x79: {  	_ =	shalt  }
0x7a: {  	_ =	shalt  }
0x7b: {  	_ =	shalt  }
0x7c: {  	_ =	shalt  }
0x7d: {  	_ =	shalt  }
0x7e: {  	_ =	shalt  }
0x7f: {  	_ =	shalt  }
0x80: {  	_ =	shalt  }
0x81: {  	_ =	shalt  }
0x82: {  	_ =	shalt  }
0x83: {  	_ =	shalt  }
0x84: {  	_ =	shalt  }
0x85: {  	_ =	shalt  }
0x86: {  	_ =	shalt  }
0x87: {  	_ =	shalt  }
.Lfunc_end0:
.L_simem_size_0:
called_computation.2_lowered:
.L_overlay_start_0:
0x88: {  	s2 =	sld [smem:$0x3FD9]  }
0x89: {  	s3 =	sld [smem:$0x3FFE];
	_ =	sdelay $0x1  }
0x8a: {  	s1 =	srdreg.scid  }
0x8b: {  	s0 =	sand.u32 $0x1, s1  }
0x8c: {  	s14 =	sshll.u32 s0, $0xA;
	s2 =	sadd.s32 s3, s2  }
0x8d: {  	s2 =	sadd.s32 s2, s14  }
0x8e: {  	[smem:$0x3FB5] =	sst s2  }
0x8f: {  	_ = 	snop  }
0x90: {  	s2 =	sld [smem:$0x3FD0];
	_ =	sdelay $0x2  }
0x91: {  	s15 =	simm.s32 $0xA;
	s4 =	simm.s32 $0x10  }
0x92: {  	[smem:s4], [sflag:s15] =	dma.local [hbm:s2], $0x1  }
0x93: {  	_ =	swait.eq [sflag:s15], $0x1  }
0x94: {  	[sflag:s15] =	ssyncset.done $0x0  }
0x95: {  	[sflag:s15] =	ssyncadd.s32 $0xFFFFFFFF  }
0x96: {  	s16 =	sld [smem:$0x10];
	(tm) =	ssettm $0x1  }
0x97: {  	s17 =	sld [smem:$0x3FFB];
	_ =	sdelay $0x3  }
0x98: {  	_ =	strace s17  }
0x99: {  	s3 =	sld [smem:$0x3FFC];
	_ =	sdelay $0x3  }
0x9a: {  	_ =	strace s3  }
0x9b: {  	s3 =	sld [smem:$0x3FFD];
	_ =	sdelay $0x3  }
0x9c: {  	_ =	strace s3  }
0x9d: {  	_ =	strace $0x8FFFFFFF  }
0x9e: {  	s18 =	sld [smem:$0x3FDB];
	_ =	sdelay $0x1  }
0x9f: {  	s19 =	simm.s32 $_scs_section_size  }
0xa0: {  	s5 =	simm.s32 $_size__tile_overlayer_lowered;
	s6 =	simm.s32 $_tile_overlayer_lowered  }
0xa1: {  	s22 =	simm.s32 $0x1BFF;
	s21 =	sshll.u32 s6, $0x1;
	s3 =	sadd.s32 s19, s18  }
0xa2: {  	s7 =	simm.s32 $0x0;
	s20 =	sshll.u32 s5, $0x1;
	s5 =	sadd.s32 s21, s3  }
0xa3: {  	[timem:s7], [sflag:s22] =	dma.local [hbm:s5], s20  }
0xa4: {  	_ =	swait.ge [sflag:s22], s20  }
0xa5: {  	s4 =	ssub.s32 $0x0, s20;
	[sflag:s22] =	ssyncset.done $0x0  }
0xa6: {  	[sflag:s22] =	ssyncadd.s32 s4;
	_ =	sdelay $0x1  }
0xa7: {  	s23 =	simm.s32 $0x1B8B  }
0xa8: {  	_ =	swait.ge [sflag:s23], $0x1  }
0xa9: {  	[sflag:s23] =	ssyncset.done $0x0  }
0xaa: {  	s25 =	simm.s32 $0x1B8E;
	s24 =	sld [smem:$0x3FFE];
	[sflag:s23] =	ssyncadd.s32 $0xFFFFFFFF  }
0xab: {  	s26 =	simm.s32 $execute0_lowered;
	[smem:$0x3FD2] =	sst s25  }
0xac: {  	s5 =	sshll.u32 s26, $0x1;
	_ =	strace $0x8000004C;
	[dreg:$0x1] =	wrdreg $0xFFFFFFFF  }
0xad: {  	s28 =	simm.s32 $_size_execute0_lowered;
	s3 =	sadd.s32 s3, s5;
	[dreg:$0x0] =	wrdreg $0x0  }
0xae: {  	s5 =	sshll.u32 s28, $0x1;
	[dreg:$0x2] =	wrdreg s3  }
0xaf: {  	[dreg:$0x3] =	wrdreg s5  }
0xb0: {  	[dreg:$0x4] =	wrdreg $0xC0  }
0xb1: {  	_ =	task [dreg:s7], $0x5FFFF  }
0xb2: {  	[dreg:$0x1] =	wrdreg $0xFFFFFFFF  }
0xb3: {  	[dreg:$0x0] =	wrdreg $0x60  }
0xb4: {  	[dreg:$0x2] =	wrdreg s24  }
0xb5: {  	[dreg:$0x3] =	wrdreg s16  }
0xb6: {  	[dreg:$0x4] =	wrdreg $0x9  }
0xb7: {  	_ =	task.clear_ibuf [dreg:s7], $0x5FFFF;
	_ =	strace $0x9000004C  }
0xb8: {  	s29 =	simm.s32 $0x9;
	_ =	strace $0x8000004E  }
0xb9: {  	_ =	swait.ge [sflag:s29], $0x1  }
0xba: {  	[sflag:s29] =	ssyncadd.s32 $0xFFFFFFFF  }
0xbb: {  	_ =	strace $0x9000004E  }
0xbc: {  	_ =	sfence  }
0xbd: {  	s30 =	sld [smem:$0x0];
	_ =	sdelay $0x2  }
0xbe: {  	s31 =	sshll.u32 s1, $0xD;
	s1 =	sshrl.u32 s1, $0x2  }
0xbf: {  	s3 =	sand.u32 $0x4000, s31;
	s1 =	sadd.s32 s1, s30  }
0xc0: {  	s0 =	sor.u32 s3, s0;
	s1 =	sshll.u32 s1, $0x11  }
0xc1: {  	s0 =	sor.u32 s1, s0  }
0xc2: {  	s0 =	sadd.s32 $0x8F2B, s0  }
0xc3: {  	[sflag:s0] =	ssyncadd.remote.s32 $0x1  }
0xc4: {  	_ =	sfence.sel $0xFFFF  }
0xc5: {  	[dreg:$0x0] =	wrdreg $0xFFFFFFFF;
	(pc) =	sbr.abs _section_cstart, $3  }
0xc6: {  	[dreg:$0x1] =	wrdreg $0xFFFFFFFF  }
0xc7: {  	_ =	task.clear_ibuf [dreg:s7], $0x2FFFF;
	_ =	strace $0x9FFFFFFF  }
0xc8: {  	(tm) =	ssettm $0x7FFFFFFF  }
0xc9: {  	_ =	shalt  }
tec
execute0_lowered:
.L_overlay_start_1:
0x0: {  	(tag) =	ssettag $0x1  }
0x1: {  	s0 =	srdreg.scid  }
0x2: {  	s1 =	stileid.u32;
	s2 =	rddreg [dreg:$0x0]  }
0x3: {  	s4 =	rddreg [dreg:$0x1];
	s3 =	simm.s32 $0x0;
	s13 =	simm.s32 $0x1  }
0x4: {  	s14 =	simm.s32 $0x2;
	s16 =	simm.s32 $0x900;
	s17 =	simm.s32 $0x1100  }
0x5: {  	s18 =	simm.s32 $0x1900;
	s20 =	simm.s32 $0x2100;
	s28 =	simm.s32 $0x5100  }
0x6: {  	s29 =	simm.s32 $0x5900;
	s30 =	simm.s32 $0x6100;
	s31 =	simm.s32 $0x6900  }
0x7: {  	s9 =	simm.s32 $0x7100;
	s0 =	sand.u32 $0x1, s0;
	s1 =	sshll.u32 s1, $0x1  }
0x8: {  	s19 =	simm.s32 $0x8100;
	s11 =	simm.s32 $0x9100;
	s1 =	sor.u32 s0, s1  }
0x9: {  	s12 =	simm.s32 $0x9900;
	s10 =	simm.s32 $0xA900;
	s5 =	smul.u32 $0x18, s1  }
0xa: {  	[smem:$0x7FF] =	sst s3;
	s0 =	ssub.s32 $0x2, s0;
	s6 =	smul.u32 $0x6000, s1  }
0xb: {  	s7 =	sadd.s32 $0x82C00, s2;
	s1 =	smul.u32 $0x30000, s1;
	s23 =	sshrl.u32 s0, $0x1  }
0xc: {  	_ =	strace $0x8000004D;
	s0 =	ssub.s32 s0, s23;
	s23 =	simm.s32 $0x3900  }
0xd: {  	s4 =	sadd.s32 s4, s5;
	s21 =	sadd.s32 s7, s6;
	s1 =	sshrl.u32 s1, $0x3  }
0xe: {  	s5 =	sadd.s32 $0x100, s2;
	s6 =	sadd.s32 $0x200, s2;
	[dreg:$0x3] =	wrdreg s4  }
0xf: {  	[dreg:$0x9] =	wrdreg s21;
	s22 =	sadd.s32 $0x1000, s21;
	s1 =	sadd.s32 s7, s1  }
0x10: {  	s8 =	smax.u32 s0, $0x1;
	[dreg:$0x4] =	wrdreg s22;
	s24 =	sadd.s32 $0x2000, s1  }
0x11: {  	s7 =	sadd.s32 $0x300, s2;
	s25 =	sadd.s32 $0x3000, s1;
	[dreg:$0x5] =	wrdreg s24  }
0x12: {  	s21 =	simm.s32 $0x2900;
	s26 =	sadd.s32 $0x4000, s1;
	[dreg:$0x6] =	wrdreg s25  }
0x13: {  	v2 =	vlaneseq.u32;
	s4 =	simm.s32 $0x7900;
	s1 =	sadd.s32 $0x5000, s1;
	[dreg:$0x7] =	wrdreg s26  }
0x14: {  	vm0 =	vmmov $0xffff;
	v1 =	vshrl.u32 v2, $0x3;
	s22 =	simm.s32 $0x3100;
	[dreg:$0x8] =	wrdreg s1;
	s24 =	simm.s32 $0x4100  }
0x15: {  	v0 =	vand.u32 $0x7, v2;
	v2 =	vor.u32 $0x8, v2;
	v1 =	vmul.u32 $0x8, v1;
	s25 =	simm.s32 $0x4900;
	s26 =	simm.s32 $0xB100;
	s1 =	simm.s32 $0x10100  }
.LBB2_1:
0x16: {  	s15 =	rddreg [dreg:$0x3];
	s0 =	simm.s32 $0x3  }
0x17: {  	[tilespmem:s3], [sflag:$0x3] =	stream.linear.gather [hbm4b:s15+s3], $0xC0, $0x38;
	[tilespmem:$0x18100] =	vst v63  }
0x18: {  	_ =	swait.ge [sflag:s0], $0xC0  }
0x19: {  	[sflag:s0] =	ssyncset.done $0x0  }
0x1a: {  	[sflag:s0] =	ssyncadd.s32 $0xFFFFFF40  }
0x1b: {  	v3 =	vld [tilespmem:$0x0];
	_ =	sdelay $0x4  }
0x1c: {  	v4 =	vshll.u32 v3, $0x3  }
0x1d: {  	v3 =	vand.u32 $0x7, v3;
	v4 =	vand.u32 $0xFFFFFFC0, v4  }
0x1e: {  	v3 =	vor.u32 v3, v4  }
0x1f: {  	v4 =	vperm.xlane v3, v0;
	_ =	sdelay $0x1  }
0x20: {  	v4 =	vadd.s32 v1, v4;
	_ =	sdelay $0x3  }
0x21: {  	s15 =	simm.s32 $0x100  }
0x22: {  	[tilespmem:s15], [sflag:$0x1] =	stream.indirect_vreg.gather [hbm4b:s2+s3], $0x80, v4, vm0, $0xb8;
	[tilespmem:$0x18100] =	vst v63  }
0x23: {  	v3 =	vperm.xlane v3, v2  }
0x24: {  	[tilespmem:s16], [sflag:$0x1] =	stream.indirect_vreg.gather [hbm4b:s5+s3], $0x80, v4, vm0, $0xb8;
	[tilespmem:$0x18100] =	vst v63  }
0x25: {  	v3 =	vadd.s32 v1, v3  }
0x26: {  	[tilespmem:s17], [sflag:$0x1] =	stream.indirect_vreg.gather [hbm4b:s6+s3], $0x80, v4, vm0, $0xb8;
	[tilespmem:$0x18100] =	vst v63  }
0x27: {  	_ = 	snop  }
0x28: {  	[tilespmem:s18], [sflag:$0x1] =	stream.indirect_vreg.gather [hbm4b:s7+s3], $0x80, v4, vm0, $0xb8;
	[tilespmem:$0x18100] =	vst v63  }
0x29: {  	_ = 	snop  }
0x2a: {  	[tilespmem:s20], [sflag:$0x1] =	stream.indirect_vreg.gather [hbm4b:s2+s3], $0x80, v3, vm0, $0xb8;
	[tilespmem:$0x18100] =	vst v63  }
0x2b: {  	_ = 	snop  }
0x2c: {  	[tilespmem:s21], [sflag:$0x1] =	stream.indirect_vreg.gather [hbm4b:s5+s3], $0x80, v3, vm0, $0xb8;
	[tilespmem:$0x18100] =	vst v63  }
0x2d: {  	_ = 	snop  }
0x2e: {  	[tilespmem:s22], [sflag:$0x1] =	stream.indirect_vreg.gather [hbm4b:s6+s3], $0x80, v3, vm0, $0xb8;
	[tilespmem:$0x18100] =	vst v63  }
0x2f: {  	_ = 	snop  }
0x30: {  	[tilespmem:s23], [sflag:$0x1] =	stream.indirect_vreg.gather [hbm4b:s7+s3], $0x80, v3, vm0, $0xb8;
	[tilespmem:$0x18100] =	vst v63  }
0x31: {  	v3 =	vld [tilespmem:$0x10];
	_ =	sdelay $0x4  }
0x32: {  	v53 =	vshll.u32 v3, $0x3  }
0x33: {  	v3 =	vand.u32 $0x7, v3;
	v4 =	vand.u32 $0xFFFFFFC0, v53  }
0x34: {  	v3 =	vor.u32 v3, v4  }
0x35: {  	v4 =	vperm.xlane v3, v0;
	_ =	sdelay $0x1  }
0x36: {  	v4 =	vadd.s32 v1, v4;
	_ =	sdelay $0x4  }
0x37: {  	[tilespmem:s24], [sflag:$0x1] =	stream.indirect_vreg.gather [hbm4b:s2+s3], $0x80, v4, vm0, $0xb8;
	[tilespmem:$0x18100] =	vst v63  }
0x38: {  	v3 =	vperm.xlane v3, v2  }
0x39: {  	[tilespmem:s25], [sflag:$0x1] =	stream.indirect_vreg.gather [hbm4b:s5+s3], $0x80, v4, vm0, $0xb8;
	[tilespmem:$0x18100] =	vst v63  }
0x3a: {  	v3 =	vadd.s32 v1, v3  }
0x3b: {  	[tilespmem:s28], [sflag:$0x1] =	stream.indirect_vreg.gather [hbm4b:s6+s3], $0x80, v4, vm0, $0xb8;
	[tilespmem:$0x18100] =	vst v63  }
0x3c: {  	_ = 	snop  }
0x3d: {  	[tilespmem:s29], [sflag:$0x1] =	stream.indirect_vreg.gather [hbm4b:s7+s3], $0x80, v4, vm0, $0xb8;
	[tilespmem:$0x18100] =	vst v63  }
0x3e: {  	_ = 	snop  }
0x3f: {  	[tilespmem:s30], [sflag:$0x1] =	stream.indirect_vreg.gather [hbm4b:s2+s3], $0x80, v3, vm0, $0xb8;
	[tilespmem:$0x18100] =	vst v63  }
0x40: {  	_ = 	snop  }
0x41: {  	[tilespmem:s31], [sflag:$0x1] =	stream.indirect_vreg.gather [hbm4b:s5+s3], $0x80, v3, vm0, $0xb8;
	[tilespmem:$0x18100] =	vst v63  }
0x42: {  	_ = 	snop  }
0x43: {  	[tilespmem:s9], [sflag:$0x1] =	stream.indirect_vreg.gather [hbm4b:s6+s3], $0x80, v3, vm0, $0xb8;
	[tilespmem:$0x18100] =	vst v63  }
0x44: {  	_ = 	snop  }
0x45: {  	[tilespmem:s4], [sflag:$0x1] =	stream.indirect_vreg.gather [hbm4b:s7+s3], $0x80, v3, vm0, $0xb8;
	[tilespmem:$0x18100] =	vst v63  }
0x46: {  	v3 =	vld [tilespmem:$0x20];
	_ =	sdelay $0x4  }
0x47: {  	v54 =	vshll.u32 v3, $0x3  }
0x48: {  	v3 =	vand.u32 $0x7, v3;
	v4 =	vand.u32 $0xFFFFFFC0, v54  }
0x49: {  	v3 =	vor.u32 v3, v4  }
0x4a: {  	v4 =	vperm.xlane v3, v0;
	_ =	sdelay $0x1  }
0x4b: {  	v4 =	vadd.s32 v1, v4;
	_ =	sdelay $0x4  }
0x4c: {  	[tilespmem:s19], [sflag:$0x1] =	stream.indirect_vreg.gather [hbm4b:s2+s3], $0x80, v4, vm0, $0xb8;
	[tilespmem:$0x18100] =	vst v63  }
0x4d: {  	s15 =	simm.s32 $0x8900;
	v3 =	vperm.xlane v3, v2  }
0x4e: {  	[tilespmem:s15], [sflag:$0x1] =	stream.indirect_vreg.gather [hbm4b:s5+s3], $0x80, v4, vm0, $0xb8;
	[tilespmem:$0x18100] =	vst v63  }
0x4f: {  	v3 =	vadd.s32 v1, v3  }
0x50: {  	[tilespmem:s11], [sflag:$0x1] =	stream.indirect_vreg.gather [hbm4b:s6+s3], $0x80, v4, vm0, $0xb8;
	[tilespmem:$0x18100] =	vst v63  }
0x51: {  	_ = 	snop  }
0x52: {  	[tilespmem:s12], [sflag:$0x1] =	stream.indirect_vreg.gather [hbm4b:s7+s3], $0x80, v4, vm0, $0xb8;
	[tilespmem:$0x18100] =	vst v63  }
0x53: {  	s15 =	simm.s32 $0xA100  }
0x54: {  	[tilespmem:s15], [sflag:$0x1] =	stream.indirect_vreg.gather [hbm4b:s2+s3], $0x80, v3, vm0, $0xb8;
	[tilespmem:$0x18100] =	vst v63  }
0x55: {  	_ = 	snop  }
0x56: {  	[tilespmem:s10], [sflag:$0x1] =	stream.indirect_vreg.gather [hbm4b:s5+s3], $0x80, v3, vm0, $0xb8;
	[tilespmem:$0x18100] =	vst v63  }
0x57: {  	_ = 	snop  }
0x58: {  	[tilespmem:s26], [sflag:$0x1] =	stream.indirect_vreg.gather [hbm4b:s6+s3], $0x80, v3, vm0, $0xb8;
	[tilespmem:$0x18100] =	vst v63  }
0x59: {  	s15 =	simm.s32 $0xB900  }
0x5a: {  	[tilespmem:s15], [sflag:$0x1] =	stream.indirect_vreg.gather [hbm4b:s7+s3], $0x80, v3, vm0, $0xb8;
	[tilespmem:$0x18100] =	vst v63  }
0x5b: {  	v3 =	vld [tilespmem:$0x30];
	_ =	sdelay $0x4  }
0x5c: {  	v55 =	vshll.u32 v3, $0x3  }
0x5d: {  	v3 =	vand.u32 $0x7, v3;
	v4 =	vand.u32 $0xFFFFFFC0, v55  }
0x5e: {  	v3 =	vor.u32 v3, v4  }
0x5f: {  	v4 =	vperm.xlane v3, v0;
	_ =	sdelay $0x1  }
0x60: {  	v4 =	vadd.s32 v1, v4;
	_ =	sdelay $0x3  }
0x61: {  	s15 =	simm.s32 $0xC100  }
0x62: {  	[tilespmem:s15], [sflag:$0x1] =	stream.indirect_vreg.gather [hbm4b:s2+s3], $0x80, v4, vm0, $0xb8;
	[tilespmem:$0x18100] =	vst v63  }
0x63: {  	v3 =	vperm.xlane v3, v2;
	s15 =	simm.s32 $0xC900  }
0x64: {  	[tilespmem:s15], [sflag:$0x1] =	stream.indirect_vreg.gather [hbm4b:s5+s3], $0x80, v4, vm0, $0xb8;
	[tilespmem:$0x18100] =	vst v63  }
0x65: {  	v3 =	vadd.s32 v1, v3;
	s15 =	simm.s32 $0xD100  }
0x66: {  	[tilespmem:s15], [sflag:$0x1] =	stream.indirect_vreg.gather [hbm4b:s6+s3], $0x80, v4, vm0, $0xb8;
	[tilespmem:$0x18100] =	vst v63  }
0x67: {  	s15 =	simm.s32 $0xD900  }
0x68: {  	[tilespmem:s15], [sflag:$0x1] =	stream.indirect_vreg.gather [hbm4b:s7+s3], $0x80, v4, vm0, $0xb8;
	[tilespmem:$0x18100] =	vst v63  }
0x69: {  	s15 =	simm.s32 $0xE100  }
0x6a: {  	[tilespmem:s15], [sflag:$0x1] =	stream.indirect_vreg.gather [hbm4b:s2+s3], $0x80, v3, vm0, $0xb8;
	[tilespmem:$0x18100] =	vst v63  }
0x6b: {  	s15 =	simm.s32 $0xE900  }
0x6c: {  	[tilespmem:s15], [sflag:$0x1] =	stream.indirect_vreg.gather [hbm4b:s5+s3], $0x80, v3, vm0, $0xb8;
	[tilespmem:$0x18100] =	vst v63  }
0x6d: {  	s15 =	simm.s32 $0xF100  }
0x6e: {  	[tilespmem:s15], [sflag:$0x1] =	stream.indirect_vreg.gather [hbm4b:s6+s3], $0x80, v3, vm0, $0xb8;
	[tilespmem:$0x18100] =	vst v63  }
0x6f: {  	s15 =	simm.s32 $0xF900  }
0x70: {  	[tilespmem:s15], [sflag:$0x1] =	stream.indirect_vreg.gather [hbm4b:s7+s3], $0x80, v3, vm0, $0xb8;
	[tilespmem:$0x18100] =	vst v63  }
0x71: {  	v3 =	vld [tilespmem:$0x40];
	_ =	sdelay $0x4  }
0x72: {  	v56 =	vshll.u32 v3, $0x3  }
0x73: {  	v3 =	vand.u32 $0x7, v3;
	v4 =	vand.u32 $0xFFFFFFC0, v56  }
0x74: {  	v3 =	vor.u32 v3, v4  }
0x75: {  	v4 =	vperm.xlane v3, v0;
	_ =	sdelay $0x1  }
0x76: {  	v4 =	vadd.s32 v1, v4;
	_ =	sdelay $0x4  }
0x77: {  	[tilespmem:s1], [sflag:$0x1] =	stream.indirect_vreg.gather [hbm4b:s2+s3], $0x80, v4, vm0, $0xb8;
	[tilespmem:$0x18100] =	vst v63  }
0x78: {  	s15 =	simm.s32 $0x10900;
	v3 =	vperm.xlane v3, v2  }
0x79: {  	[tilespmem:s15], [sflag:$0x1] =	stream.indirect_vreg.gather [hbm4b:s5+s3], $0x80, v4, vm0, $0xb8;
	[tilespmem:$0x18100] =	vst v63  }
0x7a: {  	v3 =	vadd.s32 v1, v3;
	s15 =	simm.s32 $0x11100  }
0x7b: {  	[tilespmem:s15], [sflag:$0x1] =	stream.indirect_vreg.gather [hbm4b:s6+s3], $0x80, v4, vm0, $0xb8;
	[tilespmem:$0x18100] =	vst v63  }
0x7c: {  	s15 =	simm.s32 $0x11900  }
0x7d: {  	[tilespmem:s15], [sflag:$0x1] =	stream.indirect_vreg.gather [hbm4b:s7+s3], $0x80, v4, vm0, $0xb8;
	[tilespmem:$0x18100] =	vst v63  }
0x7e: {  	s15 =	simm.s32 $0x12100  }
0x7f: {  	[tilespmem:s15], [sflag:$0x1] =	stream.indirect_vreg.gather [hbm4b:s2+s3], $0x80, v3, vm0, $0xb8;
	[tilespmem:$0x18100] =	vst v63  }
0x80: {  	s15 =	simm.s32 $0x12900  }
0x81: {  	[tilespmem:s15], [sflag:$0x1] =	stream.indirect_vreg.gather [hbm4b:s5+s3], $0x80, v3, vm0, $0xb8;
	[tilespmem:$0x18100] =	vst v63  }
0x82: {  	s15 =	simm.s32 $0x13100  }
0x83: {  	[tilespmem:s15], [sflag:$0x1] =	stream.indirect_vreg.gather [hbm4b:s6+s3], $0x80, v3, vm0, $0xb8;
	[tilespmem:$0x18100] =	vst v63  }
0x84: {  	s15 =	simm.s32 $0x13900  }
0x85: {  	[tilespmem:s15], [sflag:$0x1] =	stream.indirect_vreg.gather [hbm4b:s7+s3], $0x80, v3, vm0, $0xb8;
	[tilespmem:$0x18100] =	vst v63  }
0x86: {  	v3 =	vld [tilespmem:$0x50];
	_ =	sdelay $0x4  }
0x87: {  	v57 =	vshll.u32 v3, $0x3  }
0x88: {  	v3 =	vand.u32 $0x7, v3;
	v4 =	vand.u32 $0xFFFFFFC0, v57  }
0x89: {  	v3 =	vor.u32 v3, v4  }
0x8a: {  	v4 =	vperm.xlane v3, v0;
	_ =	sdelay $0x1  }
0x8b: {  	v4 =	vadd.s32 v1, v4;
	_ =	sdelay $0x3  }
0x8c: {  	s15 =	simm.s32 $0x14100  }
0x8d: {  	[tilespmem:s15], [sflag:$0x1] =	stream.indirect_vreg.gather [hbm4b:s2+s3], $0x80, v4, vm0, $0xb8;
	[tilespmem:$0x18100] =	vst v63  }
0x8e: {  	v3 =	vperm.xlane v3, v2;
	s15 =	simm.s32 $0x14900  }
0x8f: {  	[tilespmem:s15], [sflag:$0x1] =	stream.indirect_vreg.gather [hbm4b:s5+s3], $0x80, v4, vm0, $0xb8;
	[tilespmem:$0x18100] =	vst v63  }
0x90: {  	v3 =	vadd.s32 v1, v3;
	s15 =	simm.s32 $0x15100  }
0x91: {  	[tilespmem:s15], [sflag:$0x1] =	stream.indirect_vreg.gather [hbm4b:s6+s3], $0x80, v4, vm0, $0xb8;
	[tilespmem:$0x18100] =	vst v63  }
0x92: {  	s15 =	simm.s32 $0x15900  }
0x93: {  	[tilespmem:s15], [sflag:$0x1] =	stream.indirect_vreg.gather [hbm4b:s7+s3], $0x80, v4, vm0, $0xb8;
	[tilespmem:$0x18100] =	vst v63  }
0x94: {  	s15 =	simm.s32 $0x16100  }
0x95: {  	[tilespmem:s15], [sflag:$0x1] =	stream.indirect_vreg.gather [hbm4b:s2+s3], $0x80, v3, vm0, $0xb8;
	[tilespmem:$0x18100] =	vst v63  }
0x96: {  	s15 =	simm.s32 $0x16900  }
0x97: {  	[tilespmem:s15], [sflag:$0x1] =	stream.indirect_vreg.gather [hbm4b:s5+s3], $0x80, v3, vm0, $0xb8;
	[tilespmem:$0x18100] =	vst v63  }
0x98: {  	s15 =	simm.s32 $0x17100  }
0x99: {  	[tilespmem:s15], [sflag:$0x1] =	stream.indirect_vreg.gather [hbm4b:s6+s3], $0x80, v3, vm0, $0xb8;
	[tilespmem:$0x18100] =	vst v63  }
0x9a: {  	s15 =	simm.s32 $0x17900  }
0x9b: {  	[tilespmem:s15], [sflag:$0x1] =	stream.indirect_vreg.gather [hbm4b:s7+s3], $0x80, v3, vm0, $0xb8;
	[tilespmem:$0x18100] =	vst v63  }
0x9c: {  	_ =	swait.ge [sflag:s13], $0x8000  }
0x9d: {  	[sflag:s13] =	ssyncset.done $0x0  }
0x9e: {  	s0 =	simm.s32 $0x100;
	s15 =	rddreg [dreg:$0x9];
	[sflag:s13] =	ssyncadd.s32 $0xFFFF8000  }
0x9f: {  	[hbm4b:s15+s3] =	stream.linear.scatter [tilespmem:s0], [sflag:$0x2], $0x8000, $0x38;
	[tilespmem:$0x18100] =	vst v63  }
0xa0: {  	_ =	swait.ge [sflag:s14], $0x8000  }
0xa1: {  	[sflag:s14] =	ssyncset.done $0x0  }
0xa2: {  	[sflag:s14] =	ssyncadd.s32 $0xFFFF8000  }
0xa3: {  	v3 =	vld [tilespmem:$0x60];
	_ =	sdelay $0x4  }
0xa4: {  	v58 =	vshll.u32 v3, $0x3  }
0xa5: {  	v3 =	vand.u32 $0x7, v3;
	v4 =	vand.u32 $0xFFFFFFC0, v58  }
0xa6: {  	v3 =	vor.u32 v3, v4  }
0xa7: {  	v4 =	vperm.xlane v3, v0;
	_ =	sdelay $0x1  }
0xa8: {  	v4 =	vadd.s32 v1, v4;
	_ =	sdelay $0x4  }
0xa9: {  	[tilespmem:s0], [sflag:$0x1] =	stream.indirect_vreg.gather [hbm4b:s2+s3], $0x80, v4, vm0, $0xb8;
	[tilespmem:$0x18100] =	vst v63  }
0xaa: {  	v3 =	vperm.xlane v3, v2  }
0xab: {  	[tilespmem:s16], [sflag:$0x1] =	stream.indirect_vreg.gather [hbm4b:s5+s3], $0x80, v4, vm0, $0xb8;
	[tilespmem:$0x18100] =	vst v63  }
0xac: {  	v3 =	vadd.s32 v1, v3  }
0xad: {  	[tilespmem:s17], [sflag:$0x1] =	stream.indirect_vreg.gather [hbm4b:s6+s3], $0x80, v4, vm0, $0xb8;
	[tilespmem:$0x18100] =	vst v63  }
0xae: {  	_ = 	snop  }
0xaf: {  	[tilespmem:s18], [sflag:$0x1] =	stream.indirect_vreg.gather [hbm4b:s7+s3], $0x80, v4, vm0, $0xb8;
	[tilespmem:$0x18100] =	vst v63  }
0xb0: {  	_ = 	snop  }
0xb1: {  	[tilespmem:s20], [sflag:$0x1] =	stream.indirect_vreg.gather [hbm4b:s2+s3], $0x80, v3, vm0, $0xb8;
	[tilespmem:$0x18100] =	vst v63  }
0xb2: {  	_ = 	snop  }
0xb3: {  	[tilespmem:s21], [sflag:$0x1] =	stream.indirect_vreg.gather [hbm4b:s5+s3], $0x80, v3, vm0, $0xb8;
	[tilespmem:$0x18100] =	vst v63  }
0xb4: {  	_ = 	snop  }
0xb5: {  	[tilespmem:s22], [sflag:$0x1] =	stream.indirect_vreg.gather [hbm4b:s6+s3], $0x80, v3, vm0, $0xb8;
	[tilespmem:$0x18100] =	vst v63  }
0xb6: {  	_ = 	snop  }
0xb7: {  	[tilespmem:s23], [sflag:$0x1] =	stream.indirect_vreg.gather [hbm4b:s7+s3], $0x80, v3, vm0, $0xb8;
	[tilespmem:$0x18100] =	vst v63  }
0xb8: {  	v3 =	vld [tilespmem:$0x70];
	_ =	sdelay $0x4  }
0xb9: {  	v59 =	vshll.u32 v3, $0x3  }
0xba: {  	v3 =	vand.u32 $0x7, v3;
	v4 =	vand.u32 $0xFFFFFFC0, v59  }
0xbb: {  	v3 =	vor.u32 v3, v4  }
0xbc: {  	v4 =	vperm.xlane v3, v0;
	_ =	sdelay $0x1  }
0xbd: {  	v4 =	vadd.s32 v1, v4;
	_ =	sdelay $0x4  }
0xbe: {  	[tilespmem:s24], [sflag:$0x1] =	stream.indirect_vreg.gather [hbm4b:s2+s3], $0x80, v4, vm0, $0xb8;
	[tilespmem:$0x18100] =	vst v63  }
0xbf: {  	v3 =	vperm.xlane v3, v2  }
0xc0: {  	[tilespmem:s25], [sflag:$0x1] =	stream.indirect_vreg.gather [hbm4b:s5+s3], $0x80, v4, vm0, $0xb8;
	[tilespmem:$0x18100] =	vst v63  }
0xc1: {  	v3 =	vadd.s32 v1, v3  }
0xc2: {  	[tilespmem:s28], [sflag:$0x1] =	stream.indirect_vreg.gather [hbm4b:s6+s3], $0x80, v4, vm0, $0xb8;
	[tilespmem:$0x18100] =	vst v63  }
0xc3: {  	_ = 	snop  }
0xc4: {  	[tilespmem:s29], [sflag:$0x1] =	stream.indirect_vreg.gather [hbm4b:s7+s3], $0x80, v4, vm0, $0xb8;
	[tilespmem:$0x18100] =	vst v63  }
0xc5: {  	_ = 	snop  }
0xc6: {  	[tilespmem:s30], [sflag:$0x1] =	stream.indirect_vreg.gather [hbm4b:s2+s3], $0x80, v3, vm0, $0xb8;
	[tilespmem:$0x18100] =	vst v63  }
0xc7: {  	_ = 	snop  }
0xc8: {  	[tilespmem:s31], [sflag:$0x1] =	stream.indirect_vreg.gather [hbm4b:s5+s3], $0x80, v3, vm0, $0xb8;
	[tilespmem:$0x18100] =	vst v63  }
0xc9: {  	_ = 	snop  }
0xca: {  	[tilespmem:s9], [sflag:$0x1] =	stream.indirect_vreg.gather [hbm4b:s6+s3], $0x80, v3, vm0, $0xb8;
	[tilespmem:$0x18100] =	vst v63  }
0xcb: {  	_ = 	snop  }
0xcc: {  	[tilespmem:s4], [sflag:$0x1] =	stream.indirect_vreg.gather [hbm4b:s7+s3], $0x80, v3, vm0, $0xb8;
	[tilespmem:$0x18100] =	vst v63  }
0xcd: {  	_ =	swait.ge [sflag:s13], $0x8000  }
0xce: {  	[sflag:s13] =	ssyncset.done $0x0  }
0xcf: {  	s0 =	rddreg [dreg:$0x4];
	[sflag:s13] =	ssyncadd.s32 $0xFFFF8000  }
0xd0: {  	[hbm4b:s0+s3] =	stream.linear.scatter [tilespmem:s19], [sflag:$0x2], $0x8000, $0x38;
	[tilespmem:$0x18100] =	vst v63  }
0xd1: {  	_ =	swait.ge [sflag:s14], $0x8000  }
0xd2: {  	[sflag:s14] =	ssyncset.done $0x0  }
0xd3: {  	[sflag:s14] =	ssyncadd.s32 $0xFFFF8000  }
0xd4: {  	v3 =	vld [tilespmem:$0x80];
	_ =	sdelay $0x4  }
0xd5: {  	v60 =	vshll.u32 v3, $0x3  }
0xd6: {  	v3 =	vand.u32 $0x7, v3;
	v4 =	vand.u32 $0xFFFFFFC0, v60  }
0xd7: {  	v3 =	vor.u32 v3, v4  }
0xd8: {  	v4 =	vperm.xlane v3, v0;
	_ =	sdelay $0x1  }
0xd9: {  	v4 =	vadd.s32 v1, v4;
	_ =	sdelay $0x4  }
0xda: {  	[tilespmem:s19], [sflag:$0x1] =	stream.indirect_vreg.gather [hbm4b:s2+s3], $0x80, v4, vm0, $0xb8;
	[tilespmem:$0x18100] =	vst v63  }
0xdb: {  	s15 =	simm.s32 $0x8900;
	v3 =	vperm.xlane v3, v2  }
0xdc: {  	[tilespmem:s15], [sflag:$0x1] =	stream.indirect_vreg.gather [hbm4b:s5+s3], $0x80, v4, vm0, $0xb8;
	[tilespmem:$0x18100] =	vst v63  }
0xdd: {  	v3 =	vadd.s32 v1, v3  }
0xde: {  	[tilespmem:s11], [sflag:$0x1] =	stream.indirect_vreg.gather [hbm4b:s6+s3], $0x80, v4, vm0, $0xb8;
	[tilespmem:$0x18100] =	vst v63  }
0xdf: {  	_ = 	snop  }
0xe0: {  	[tilespmem:s12], [sflag:$0x1] =	stream.indirect_vreg.gather [hbm4b:s7+s3], $0x80, v4, vm0, $0xb8;
	[tilespmem:$0x18100] =	vst v63  }
0xe1: {  	s15 =	simm.s32 $0xA100  }
0xe2: {  	[tilespmem:s15], [sflag:$0x1] =	stream.indirect_vreg.gather [hbm4b:s2+s3], $0x80, v3, vm0, $0xb8;
	[tilespmem:$0x18100] =	vst v63  }
0xe3: {  	_ = 	snop  }
0xe4: {  	[tilespmem:s10], [sflag:$0x1] =	stream.indirect_vreg.gather [hbm4b:s5+s3], $0x80, v3, vm0, $0xb8;
	[tilespmem:$0x18100] =	vst v63  }
0xe5: {  	_ = 	snop  }
0xe6: {  	[tilespmem:s26], [sflag:$0x1] =	stream.indirect_vreg.gather [hbm4b:s6+s3], $0x80, v3, vm0, $0xb8;
	[tilespmem:$0x18100] =	vst v63  }
0xe7: {  	s15 =	simm.s32 $0xB900  }
0xe8: {  	[tilespmem:s15], [sflag:$0x1] =	stream.indirect_vreg.gather [hbm4b:s7+s3], $0x80, v3, vm0, $0xb8;
	[tilespmem:$0x18100] =	vst v63  }
0xe9: {  	v3 =	vld [tilespmem:$0x90];
	_ =	sdelay $0x4  }
0xea: {  	v61 =	vshll.u32 v3, $0x3  }
0xeb: {  	v3 =	vand.u32 $0x7, v3;
	v4 =	vand.u32 $0xFFFFFFC0, v61  }
0xec: {  	v3 =	vor.u32 v3, v4  }
0xed: {  	v4 =	vperm.xlane v3, v0;
	_ =	sdelay $0x1  }
0xee: {  	v4 =	vadd.s32 v1, v4;
	_ =	sdelay $0x3  }
0xef: {  	s15 =	simm.s32 $0xC100  }
0xf0: {  	[tilespmem:s15], [sflag:$0x1] =	stream.indirect_vreg.gather [hbm4b:s2+s3], $0x80, v4, vm0, $0xb8;
	[tilespmem:$0x18100] =	vst v63  }
0xf1: {  	v3 =	vperm.xlane v3, v2;
	s15 =	simm.s32 $0xC900  }
0xf2: {  	[tilespmem:s15], [sflag:$0x1] =	stream.indirect_vreg.gather [hbm4b:s5+s3], $0x80, v4, vm0, $0xb8;
	[tilespmem:$0x18100] =	vst v63  }
0xf3: {  	v3 =	vadd.s32 v1, v3;
	s15 =	simm.s32 $0xD100  }
0xf4: {  	[tilespmem:s15], [sflag:$0x1] =	stream.indirect_vreg.gather [hbm4b:s6+s3], $0x80, v4, vm0, $0xb8;
	[tilespmem:$0x18100] =	vst v63  }
0xf5: {  	s15 =	simm.s32 $0xD900  }
0xf6: {  	[tilespmem:s15], [sflag:$0x1] =	stream.indirect_vreg.gather [hbm4b:s7+s3], $0x80, v4, vm0, $0xb8;
	[tilespmem:$0x18100] =	vst v63  }
0xf7: {  	s15 =	simm.s32 $0xE100  }
0xf8: {  	[tilespmem:s15], [sflag:$0x1] =	stream.indirect_vreg.gather [hbm4b:s2+s3], $0x80, v3, vm0, $0xb8;
	[tilespmem:$0x18100] =	vst v63  }
0xf9: {  	s15 =	simm.s32 $0xE900  }
0xfa: {  	[tilespmem:s15], [sflag:$0x1] =	stream.indirect_vreg.gather [hbm4b:s5+s3], $0x80, v3, vm0, $0xb8;
	[tilespmem:$0x18100] =	vst v63  }
0xfb: {  	s15 =	simm.s32 $0xF100  }
0xfc: {  	[tilespmem:s15], [sflag:$0x1] =	stream.indirect_vreg.gather [hbm4b:s6+s3], $0x80, v3, vm0, $0xb8;
	[tilespmem:$0x18100] =	vst v63  }
0xfd: {  	s15 =	simm.s32 $0xF900  }
0xfe: {  	[tilespmem:s15], [sflag:$0x1] =	stream.indirect_vreg.gather [hbm4b:s7+s3], $0x80, v3, vm0, $0xb8;
	[tilespmem:$0x18100] =	vst v63  }
0xff: {  	_ =	swait.ge [sflag:s13], $0x8000  }
0x100: {  	[sflag:s13] =	ssyncset.done $0x0  }
0x101: {  	s0 =	rddreg [dreg:$0x5];
	[sflag:s13] =	ssyncadd.s32 $0xFFFF8000  }
0x102: {  	[hbm4b:s0+s3] =	stream.linear.scatter [tilespmem:s1], [sflag:$0x2], $0x8000, $0x38;
	[tilespmem:$0x18100] =	vst v63  }
0x103: {  	_ =	swait.ge [sflag:s14], $0x8000  }
0x104: {  	[sflag:s14] =	ssyncset.done $0x0  }
0x105: {  	[sflag:s14] =	ssyncadd.s32 $0xFFFF8000  }
0x106: {  	v3 =	vld [tilespmem:$0xA0];
	_ =	sdelay $0x4  }
0x107: {  	v62 =	vshll.u32 v3, $0x3  }
0x108: {  	v3 =	vand.u32 $0x7, v3;
	v4 =	vand.u32 $0xFFFFFFC0, v62  }
0x109: {  	v3 =	vor.u32 v3, v4  }
0x10a: {  	v4 =	vperm.xlane v3, v0;
	_ =	sdelay $0x1  }
0x10b: {  	v4 =	vadd.s32 v1, v4;
	_ =	sdelay $0x4  }
0x10c: {  	[tilespmem:s1], [sflag:$0x1] =	stream.indirect_vreg.gather [hbm4b:s2+s3], $0x80, v4, vm0, $0xb8;
	[tilespmem:$0x18100] =	vst v63  }
0x10d: {  	s15 =	simm.s32 $0x10900;
	v3 =	vperm.xlane v3, v2  }
0x10e: {  	[tilespmem:s15], [sflag:$0x1] =	stream.indirect_vreg.gather [hbm4b:s5+s3], $0x80, v4, vm0, $0xb8;
	[tilespmem:$0x18100] =	vst v63  }
0x10f: {  	v3 =	vadd.s32 v1, v3;
	s15 =	simm.s32 $0x11100  }
0x110: {  	[tilespmem:s15], [sflag:$0x1] =	stream.indirect_vreg.gather [hbm4b:s6+s3], $0x80, v4, vm0, $0xb8;
	[tilespmem:$0x18100] =	vst v63  }
0x111: {  	s15 =	simm.s32 $0x11900  }
0x112: {  	[tilespmem:s15], [sflag:$0x1] =	stream.indirect_vreg.gather [hbm4b:s7+s3], $0x80, v4, vm0, $0xb8;
	[tilespmem:$0x18100] =	vst v63  }
0x113: {  	s15 =	simm.s32 $0x12100  }
0x114: {  	[tilespmem:s15], [sflag:$0x1] =	stream.indirect_vreg.gather [hbm4b:s2+s3], $0x80, v3, vm0, $0xb8;
	[tilespmem:$0x18100] =	vst v63  }
0x115: {  	s15 =	simm.s32 $0x12900  }
0x116: {  	[tilespmem:s15], [sflag:$0x1] =	stream.indirect_vreg.gather [hbm4b:s5+s3], $0x80, v3, vm0, $0xb8;
	[tilespmem:$0x18100] =	vst v63  }
0x117: {  	s15 =	simm.s32 $0x13100  }
0x118: {  	[tilespmem:s15], [sflag:$0x1] =	stream.indirect_vreg.gather [hbm4b:s6+s3], $0x80, v3, vm0, $0xb8;
	[tilespmem:$0x18100] =	vst v63  }
0x119: {  	s15 =	simm.s32 $0x13900  }
0x11a: {  	[tilespmem:s15], [sflag:$0x1] =	stream.indirect_vreg.gather [hbm4b:s7+s3], $0x80, v3, vm0, $0xb8;
	[tilespmem:$0x18100] =	vst v63  }
0x11b: {  	v3 =	vld [tilespmem:$0xB0];
	_ =	sdelay $0x4  }
0x11c: {  	v63 =	vshll.u32 v3, $0x3  }
0x11d: {  	v3 =	vand.u32 $0x7, v3;
	v4 =	vand.u32 $0xFFFFFFC0, v63  }
0x11e: {  	v3 =	vor.u32 v3, v4  }
0x11f: {  	v4 =	vperm.xlane v3, v0;
	_ =	sdelay $0x1  }
0x120: {  	v4 =	vadd.s32 v1, v4;
	_ =	sdelay $0x3  }
0x121: {  	s15 =	simm.s32 $0x14100  }
0x122: {  	[tilespmem:s15], [sflag:$0x1] =	stream.indirect_vreg.gather [hbm4b:s2+s3], $0x80, v4, vm0, $0xb8;
	[tilespmem:$0x18100] =	vst v63  }
0x123: {  	v3 =	vperm.xlane v3, v2;
	s15 =	simm.s32 $0x14900  }
0x124: {  	[tilespmem:s15], [sflag:$0x1] =	stream.indirect_vreg.gather [hbm4b:s5+s3], $0x80, v4, vm0, $0xb8;
	[tilespmem:$0x18100] =	vst v63  }
0x125: {  	v3 =	vadd.s32 v1, v3;
	s15 =	simm.s32 $0x15100  }
0x126: {  	[tilespmem:s15], [sflag:$0x1] =	stream.indirect_vreg.gather [hbm4b:s6+s3], $0x80, v4, vm0, $0xb8;
	[tilespmem:$0x18100] =	vst v63  }
0x127: {  	s15 =	simm.s32 $0x15900  }
0x128: {  	[tilespmem:s15], [sflag:$0x1] =	stream.indirect_vreg.gather [hbm4b:s7+s3], $0x80, v4, vm0, $0xb8;
	[tilespmem:$0x18100] =	vst v63  }
0x129: {  	s15 =	simm.s32 $0x16100  }
0x12a: {  	[tilespmem:s15], [sflag:$0x1] =	stream.indirect_vreg.gather [hbm4b:s2+s3], $0x80, v3, vm0, $0xb8;
	[tilespmem:$0x18100] =	vst v63  }
0x12b: {  	s15 =	simm.s32 $0x16900  }
0x12c: {  	[tilespmem:s15], [sflag:$0x1] =	stream.indirect_vreg.gather [hbm4b:s5+s3], $0x80, v3, vm0, $0xb8;
	[tilespmem:$0x18100] =	vst v63  }
0x12d: {  	s15 =	simm.s32 $0x17100  }
0x12e: {  	[tilespmem:s15], [sflag:$0x1] =	stream.indirect_vreg.gather [hbm4b:s6+s3], $0x80, v3, vm0, $0xb8;
	[tilespmem:$0x18100] =	vst v63  }
0x12f: {  	s15 =	simm.s32 $0x17900  }
0x130: {  	[tilespmem:s15], [sflag:$0x1] =	stream.indirect_vreg.gather [hbm4b:s7+s3], $0x80, v3, vm0, $0xb8;
	[tilespmem:$0x18100] =	vst v63  }
0x131: {  	_ =	swait.ge [sflag:s13], $0x8000  }
0x132: {  	[sflag:s13] =	ssyncset.done $0x0  }
0x133: {  	s0 =	simm.s32 $0x100;
	s15 =	rddreg [dreg:$0x6];
	[sflag:s13] =	ssyncadd.s32 $0xFFFF8000  }
0x134: {  	[hbm4b:s15+s3] =	stream.linear.scatter [tilespmem:s0], [sflag:$0x2], $0x8000, $0x38;
	[tilespmem:$0x18100] =	vst v63  }
0x135: {  	_ =	swait.ge [sflag:s13], $0x8000  }
0x136: {  	[sflag:s13] =	ssyncset.done $0x0  }
0x137: {  	s0 =	rddreg [dreg:$0x7];
	[sflag:s13] =	ssyncadd.s32 $0xFFFF8000  }
0x138: {  	[hbm4b:s0+s3] =	stream.linear.scatter [tilespmem:s19], [sflag:$0x2], $0x8000, $0x38;
	[tilespmem:$0x18100] =	vst v63  }
0x139: {  	_ =	swait.ge [sflag:s13], $0x8000  }
0x13a: {  	[sflag:s13] =	ssyncset.done $0x0  }
0x13b: {  	s0 =	rddreg [dreg:$0x8];
	[sflag:s13] =	ssyncadd.s32 $0xFFFF8000  }
0x13c: {  	[hbm4b:s0+s3] =	stream.linear.scatter [tilespmem:s1], [sflag:$0x2], $0x8000, $0x38;
	[tilespmem:$0x18100] =	vst v63  }
0x13d: {  	_ =	swait.ge [sflag:s14], $0x8000  }
0x13e: {  	[sflag:s14] =	ssyncset.done $0x0  }
0x13f: {  	[sflag:s14] =	ssyncadd.s32 $0xFFFF8000  }
0x140: {  	p0 =	sne.s32 s8, $0x1;
	_ =	swait.ge [sflag:s14], $0x8000  }
.Ltmp0:
0x141: {  	[sflag:s14] =	ssyncset.done $0x0;
	(pc) =	sbr.rel @p0 .LBB2_1-.Ltmp0, $4  }
0x142: {  	[sflag:s14] =	ssyncadd.s32 $0xFFFF8000  }
0x143: {  	_ =	swait.ge [sflag:s14], $0x8000  }
0x144: {  	[sflag:s14] =	ssyncset.done $0x0  }
0x145: {  	s8 =	sadd.s32 $0xFFFFFFFF, s8;
	[sflag:s14] =	ssyncadd.s32 $0xFFFF8000  }
0x146: {  	_ =	sfence.sel $0x180000  }
0x147: {  	[bflag:$0x0] =	sbarrier.arrive $0xFFFF  }
0x148: {  	_ =	strace $0x9000004D  }
0x149: {  	s0 =	stileid.u32;
	[bflag:$0x2] =	sbarrier.arrive $0xFFFF  }
0x14a: {  	p0 =	sne.s32 s0, $0x0;
	s0 =	rddreg [dreg:$0x2]  }
0x14b: {  	s0 =	sadd.s32 @!p0 $0x100000, s0  }
0x14c: {  	[sflag:s0] =	ssyncadd.tile.s32 @!p0 $0x1;
	_ =	shalt  }
.Lfunc_end2:
_tile_overlayer_lowered:
.L_overlay_start_2:
0x14d: {  	(tag) =	ssettag $0x2  }
0x14e: {  	s0 =	rddreg [dreg:$0x0];
	s2 =	stileid.u32  }
0x14f: {  	s1 =	rddreg [dreg:$0x1];
	p0 =	sne.s32 s2, $0x0  }
0x150: {  	s3 =	rddreg [dreg:$0x2];
	[bflag:$0x3] =	sbarrier.arrive $0xFFFF;
	s2 =	simm.s32 @!p0 $0x1C03  }
0x151: {  	[timem:s3], [sflag:s2] =	dma.local @!p0 [hbm:s0], s1  }
0x152: {  	s0 =	simm.s32 @!p0 $0x3  }
0x153: {  	_ =	swait.ge @!p0 [sflag:s0], s1  }
0x154: {  	s1 =	ssub.s32 @!p0 $0x0, s1;
	[sflag:s0] =	ssyncset.done @!p0 $0x0  }
0x155: {  	[sflag:s0] =	ssyncadd.s32 @!p0 s1  }
0x156: {  	[bflag:$0x3] =	sbarrier.arrive $0xFFFF  }
0x157: {  	_ =	shalt  }

</sc_bundles>
